<compile_context>
chip_gen: v7x
topology: tpu7x:2x2x1
jax: 0.10.2.dev20260603
libtpu: 0.0.44.dev20260713+nightly
codegen_flags: <defaults>
</compile_context>

<pallas_src>
import functools

import jax
import jax.numpy as jnp
from jax import lax
from jax.experimental import pallas as pl
from jax.experimental.pallas import tpu as pltpu
from jax.experimental.pallas import tpu_sc as plsc

SIZE = 100000
DIM = 128
B = 4
NNODES = 1024
TOPN = 50

GRID1 = 8
BLK1 = 12800
PAD = GRID1 * BLK1

NC, NS, NL = 2, 16, 16
TPB = (NC * NS) // B
CHUNK = PAD // TPB
NVR = CHUNK // NL
TCAP = 64
MCAP = TPB * TCAP
MVR = MCAP // NL

_BIG = 2**30


def _dist_body(nf_ref, means_ref, stds_ref, ds_ref, mean_ref, std_ref):
    i = pl.program_id(0)

    @pl.when(i == 0)
    def _stats():
        nf = nf_ref[...]
        mean = jnp.mean(nf, axis=1)
        xc = nf - mean[:, None, :]
        mean_ref[...] = mean
        std_ref[...] = jnp.sqrt(jnp.mean(xc * xc, axis=1))

    mb = means_ref[...]
    sb = stds_ref[...]
    mu = mean_ref[...]
    sg = std_ref[...]

    dn = (((1,), (1,)), ((), ()))
    ones = jnp.ones((1, DIM), jnp.float32)
    cross_m = lax.dot_general(mu, mb, dn, preferred_element_type=jnp.float32)
    cross_s = lax.dot_general(sg, sb, dn, preferred_element_type=jnp.float32)
    m2 = lax.dot_general(ones, mb * mb, dn, preferred_element_type=jnp.float32)
    s2 = lax.dot_general(ones, sb * sb, dn, preferred_element_type=jnp.float32)
    mu2 = jnp.sum(mu * mu, axis=1)[:, None]
    sg2 = jnp.sum(sg * sg, axis=1)[:, None]

    am = jnp.maximum(m2 - 2.0 * cross_m + mu2, 0.0)
    asd = jnp.maximum(s2 - 2.0 * cross_s + sg2, 0.0)
    ds = jnp.sqrt(am) + jnp.sqrt(asd)

    col = i * BLK1 + lax.broadcasted_iota(jnp.int32, (B, BLK1), 1)
    ds_ref[...] = jnp.where(col < SIZE, ds, jnp.inf)


def _sc_body(ds_hbm, means_hbm, stds_hbm, temp_hbm, mg_hbm, sg_hbm,
             dsv, candv, candi, topv, topi, mflatv, mflati, wbuf,
             rows_m, rows_s, stage_m, stage_s, tempv,
             stv_s, sti_s, thr_s, sem):
    c = lax.axis_index("c")
    s = lax.axis_index("s")
    b_loc = s // TPB
    j = s % TPB
    b = c * 2 + b_loc

    inf = jnp.float32(jnp.inf)
    full_inf = jnp.full((NL,), inf, jnp.float32)
    zeros_i = jnp.zeros((NL,), jnp.int32)
    lanes = lax.broadcasted_iota(jnp.int32, (NL,), 0)
    lane0 = lanes == 0

    pltpu.sync_copy(ds_hbm.at[b, pl.ds(j * CHUNK, CHUNK)], dsv)

    def p1(i, ms):
        m1, m2, m3, m4 = ms
        v = dsv[pl.ds(i * NL, NL)]
        h1 = jnp.maximum(m1, v)
        m1 = jnp.minimum(m1, v)
        h2 = jnp.maximum(m2, h1)
        m2 = jnp.minimum(m2, h1)
        h3 = jnp.maximum(m3, h2)
        m3 = jnp.minimum(m3, h2)
        m4 = jnp.minimum(m4, h3)
        return (m1, m2, m3, m4)

    _, _, _, m4 = lax.fori_loop(0, NVR, p1, (full_inf,) * 4)
    tloc = jnp.max(m4)

    stage_m[pl.ds(0, NL)] = jnp.full((NL,), tloc, jnp.float32)
    pltpu.sync_copy(stage_m.at[pl.ds(0, NL)], thr_s.at[b_loc, pl.ds(j * NL, NL)])
    plsc.subcore_barrier()
    pltpu.sync_copy(thr_s.at[b_loc], stage_s)
    tminv = full_inf
    for u in range(TPB):
        tminv = jnp.minimum(tminv, stage_s[pl.ds(u * NL, NL)])
    tsp = jnp.full((NL,), jnp.min(tminv), jnp.float32)

    gbase = j * CHUNK

    def comp(i, off):
        vs = [dsv[pl.ds(i * (4 * NL) + u * NL, NL)] for u in range(4)]
        ms = [v <= tsp for v in vs]
        one_v = jnp.ones((NL,), jnp.int32)
        zero_v = jnp.zeros((NL,), jnp.int32)
        cv = zero_v
        for m in ms:
            cv = cv + jnp.where(m, one_v, zero_v)
        tot = jnp.sum(cv)

        @pl.when(tot > 0)
        def _do():
            cs = [jnp.max(plsc.all_reduce_population_count(m)) for m in ms]
            o = off
            for u in range(4):
                gi = jnp.full((NL,), gbase + i * (4 * NL) + u * NL, jnp.int32) + lanes
                plsc.store_compressed(candv.at[pl.ds(o, NL)], vs[u], mask=ms[u])
                plsc.store_compressed(candi.at[pl.ds(o, NL)], gi, mask=ms[u])
                o = o + cs[u]

        return off + tot

    off = lax.fori_loop(0, NVR // 4, comp, jnp.int32(0))
    candv[pl.ds(off, NL)] = full_inf
    candi[pl.ds(off, NL)] = zeros_i
    ncv = (off + NL) // NL

    def _select_topk(valref, idxref, nv, outv, outi):
        def sel(k, carry):
            def mloop(i, acc):
                return jnp.minimum(acc, valref[pl.ds(i * NL, NL)])
            m = jnp.min(lax.fori_loop(0, nv, mloop, full_inf))
            msp = jnp.full((NL,), m, jnp.float32)

            def floop(i, pos):
                eq = valref[pl.ds(i * NL, NL)] == msp
                cnt = jnp.max(plsc.all_reduce_population_count(eq))
                f = jnp.max(plsc.all_reduce_ffs(eq))
                return jnp.minimum(pos, jnp.where(cnt > 0, i * NL + f, _BIG))

            pos = lax.fori_loop(0, nv, floop, jnp.int32(_BIG))
            possp = jnp.full((NL,), pos, jnp.int32)
            gi = plsc.load_gather(idxref, [possp])
            plsc.store_scatter(valref, [possp], full_inf, mask=lane0)
            ksp = jnp.full((NL,), k, jnp.int32)
            plsc.store_scatter(outv, [ksp], msp, mask=lane0)
            plsc.store_scatter(outi, [ksp], gi, mask=lane0)
            return carry

        for q in range(TCAP // NL):
            outv[pl.ds(q * NL, NL)] = full_inf
            outi[pl.ds(q * NL, NL)] = q * NL + lanes
        lax.fori_loop(0, TOPN, sel, jnp.int32(0))

    _select_topk(candv, candi, ncv, topv, topi)

    pltpu.sync_copy(topv, stv_s.at[b_loc, pl.ds(j * TCAP, TCAP)])
    pltpu.sync_copy(topi, sti_s.at[b_loc, pl.ds(j * TCAP, TCAP)])
    plsc.subcore_barrier()

    @pl.when(j == 0)
    def _merge():
        pltpu.sync_copy(stv_s.at[b_loc], mflatv)
        pltpu.sync_copy(sti_s.at[b_loc], mflati)

        l8 = lanes < TPB
        lanebase = jnp.where(l8, lanes * TCAP, 0)

        def mstep(k, ptr):
            idxv = lanebase + ptr
            hv = jnp.where(l8, plsc.load_gather(mflatv, [idxv]), inf)
            gv = plsc.load_gather(mflati, [idxv])
            m = jnp.min(hv)
            eq = (hv == jnp.full((NL,), m, jnp.float32)) & l8
            f = jnp.max(plsc.all_reduce_ffs(eq))
            win = lanes == f
            ksp = jnp.full((NL,), k, jnp.int32)
            plsc.store_scatter(topv, [ksp], hv, mask=win)
            plsc.store_scatter(topi, [ksp], gv, mask=win)
            return jnp.where(win, ptr + 1, ptr)

        lax.fori_loop(0, TOPN, mstep, jnp.zeros((NL,), jnp.int32))

        pltpu.sync_copy(temp_hbm, tempv)
        tv = tempv[...]
        svs = []
        for q in range(TCAP // NL):
            slot = q * NL + lanes
            vq = topv[pl.ds(q * NL, NL)]
            sq = jnp.where(slot < TOPN, jnp.exp(-tv * vq), -inf)
            svs.append(sq)
        msx = jnp.max(jnp.maximum(jnp.maximum(svs[0], svs[1]),
                                  jnp.maximum(svs[2], svs[3])))
        eqs, tot = [], jnp.float32(0.0)
        for q in range(TCAP // NL):
            slot = q * NL + lanes
            eq = jnp.where(slot < TOPN, jnp.exp(svs[q] - msx), 0.0)
            eqs.append(eq)
            tot = tot + jnp.sum(eq)
        for q in range(TCAP // NL):
            wbuf[pl.ds(q * NL, NL)] = eqs[q] / tot

        gm = pltpu.async_copy(means_hbm.at[topi], rows_m, sem)
        gs = pltpu.async_copy(stds_hbm.at[topi], rows_s, sem)
        gm.wait()
        gs.wait()

        def comb(k, accs):
            ksp = jnp.full((NL,), k, jnp.int32)
            wk = plsc.load_gather(wbuf, [ksp])
            out = []
            for ci in range(DIM // NL):
                out.append(accs[ci] + wk * rows_m[k, pl.ds(ci * NL, NL)])
            for ci in range(DIM // NL):
                out.append(accs[DIM // NL + ci] + wk * rows_s[k, pl.ds(ci * NL, NL)])
            return tuple(out)

        zero = jnp.zeros((NL,), jnp.float32)
        accs = lax.fori_loop(0, TCAP, comb, (zero,) * (2 * (DIM // NL)))
        for ci in range(DIM // NL):
            stage_m[pl.ds(ci * NL, NL)] = accs[ci]
            stage_s[pl.ds(ci * NL, NL)] = accs[DIM // NL + ci]
        pltpu.sync_copy(stage_m, mg_hbm.at[b])
        pltpu.sync_copy(stage_s, sg_hbm.at[b])


def _final_body(nf_ref, mean_ref, std_ref, mg_ref, sg_ref, fl_ref, out_ref):
    lf = 1.0 / (1.0 + jnp.exp(-fl_ref[0, 0]))
    mean = mean_ref[...]
    std = std_ref[...]
    mean_final = lf * mg_ref[...] + (1.0 - lf) * mean
    std_final = lf * sg_ref[...] + (1.0 - lf) * std
    nf = nf_ref[...]
    out_ref[...] = (std_final[:, None, :] * (nf - mean[:, None, :]) / std[:, None, :]
                    + mean_final[:, None, :])


def kernel(node_fts, means, stds, temp, fixed_lerp):
    f32 = jnp.float32

    ds, mean, std = pl.pallas_call(
        _dist_body,
        grid=(GRID1,),
        in_specs=[
            pl.BlockSpec((B, NNODES, DIM), lambda i: (0, 0, 0)),
            pl.BlockSpec((BLK1, DIM), lambda i: (i, 0)),
            pl.BlockSpec((BLK1, DIM), lambda i: (i, 0)),
        ],
        out_specs=(
            pl.BlockSpec((B, BLK1), lambda i: (0, i)),
            pl.BlockSpec((B, DIM), lambda i: (0, 0)),
            pl.BlockSpec((B, DIM), lambda i: (0, 0)),
        ),
        out_shape=(jax.ShapeDtypeStruct((B, PAD), f32),
                   jax.ShapeDtypeStruct((B, DIM), f32),
                   jax.ShapeDtypeStruct((B, DIM), f32)),
    )(node_fts, means, stds)

    sc_mid = pl.kernel(
        _sc_body,
        out_type=(jax.ShapeDtypeStruct((B, DIM), f32),
                  jax.ShapeDtypeStruct((B, DIM), f32)),
        mesh=plsc.VectorSubcoreMesh(core_axis_name="c", subcore_axis_name="s",
                                    num_cores=NC, num_subcores=NS),
        compiler_params=pltpu.CompilerParams(needs_layout_passes=False),
        scratch_types=[
            pltpu.VMEM((CHUNK,), f32),
            pltpu.VMEM((CHUNK + NL,), f32),
            pltpu.VMEM((CHUNK + NL,), jnp.int32),
            pltpu.VMEM((TCAP,), f32),
            pltpu.VMEM((TCAP,), jnp.int32),
            pltpu.VMEM((MCAP,), f32),
            pltpu.VMEM((MCAP,), jnp.int32),
            pltpu.VMEM((TCAP,), f32),
            pltpu.VMEM((TCAP, DIM), f32),
            pltpu.VMEM((TCAP, DIM), f32),
            pltpu.VMEM((DIM,), f32),
            pltpu.VMEM((DIM,), f32),
            pltpu.VMEM((NL,), f32),
            pltpu.VMEM_SHARED((2, MCAP), f32),
            pltpu.VMEM_SHARED((2, MCAP), jnp.int32),
            pltpu.VMEM_SHARED((2, DIM), f32),
            pltpu.SemaphoreType.DMA,
        ],
    )
    temp16 = jnp.full((NL,), temp, f32)
    mg, sg = sc_mid(ds, means, stds, temp16)

    out = pl.pallas_call(
        _final_body,
        out_shape=jax.ShapeDtypeStruct((B, NNODES, DIM), f32),
    )(node_fts, mean, std, mg, sg, fixed_lerp.reshape(1, 1))
    return out

# --- scband reference (transcript-rebuilt; emitter-appended) ---
"""Pipeline reference for scband-mean-std-memory-84275848282473 (READ-ONLY COPY).

The authoritative reference and input builder live on the scoring server;
editing this copy changes nothing except your own understanding.
"""

import jax, jax.numpy as jnp
import numpy as np

SIZE = 100000
DIM = 128
B = 4
NNODES = 1024


def setup_inputs(seed: int = 0) -> dict:
    key = jax.random.key(seed)
    k1, k2, k3 = jax.random.split(key, 3)
    node_fts = jax.random.normal(k1, (B, NNODES, DIM), dtype=jnp.float32)
    # haiku state: means/stds tables (randomized to make the computation meaningful;
    # haiku init is zeros but that degenerates the top-k neighbourhood).
    means = jax.random.normal(k2, (SIZE, DIM), dtype=jnp.float32)
    stds = jax.random.uniform(k3, (SIZE, DIM), dtype=jnp.float32, minval=0.1, maxval=1.5)
    # haiku parameters
    temp = jnp.ones((), dtype=jnp.float32)  # get_strength 'exponential' temp, init=ones
    fixed_lerp = jnp.asarray(-1.0986122886681098, dtype=jnp.float32)  # lerp_mode 'fixed' init constant
    return {"node_fts": node_fts, "means": means, "stds": stds, "temp": temp, "fixed_lerp": fixed_lerp}


def reference(node_fts, means, stds, temp, fixed_lerp):
    """MeanStdMemory.transform_features: vmap of _transform_features over batch."""

    def _transform_single(nf):
        # nf: [NNODES, DIM]
        mean = jnp.mean(nf, axis=0)
        std = jnp.std(nf, axis=0)
        # distance to every memory entry (use_std=True)
        ds = jnp.linalg.norm(means - mean, axis=1) + jnp.linalg.norm(stds - std, axis=1)
        TOPN = 50
        neg_ds, inds_closest = jax.lax.top_k(-ds, TOPN)
        ds_k = -neg_ds
        # get_strength, mode='exponential'
        s = jnp.exp(temp * -ds_k)
        w = jax.nn.softmax(s)
        means_closest = means[inds_closest]
        mean_goal = jnp.sum(w[:, None] * means_closest, axis=0)
        # get_lerp_factor, mode='fixed'
        lerp_factor = jax.nn.sigmoid(fixed_lerp)
        mean_final = lerp_factor * mean_goal + (1.0 - lerp_factor) * mean
        stds_closest = stds[inds_closest]
        std_goal = jnp.sum(w[:, None] * stds_closest, axis=0)
        std_final = lerp_factor * std_goal + (1.0 - lerp_factor) * std
        return std_final * (nf - mean) / std + mean_final

    return jax.vmap(_transform_single)(node_fts)

if __name__ == "__main__":
    import jax
    _d = setup_inputs()
    print(jax.jit(kernel)(*tuple(_d.values())))

</pallas_src>

<mosaic_0001>
#map = affine_map<(d0, d1) -> (0, 0)>
#map1 = affine_map<(d0, d1) -> (0)>
module attributes {stable_mosaic.version = 14 : i64} {
  func.func @_sc_body(%arg0: i32, %arg1: i32, %arg2: memref<4x102400xf32, #tpu.memory_space<hbm>>, %arg3: memref<100000x128xf32, #tpu.memory_space<hbm>>, %arg4: memref<100000x128xf32, #tpu.memory_space<hbm>>, %arg5: memref<16xf32, #tpu.memory_space<hbm>>, %arg6: memref<4x128xf32, #tpu.memory_space<hbm>>, %arg7: memref<4x128xf32, #tpu.memory_space<hbm>>, %arg8: memref<12800xf32, #tpu.memory_space<vmem>>, %arg9: memref<12816xf32, #tpu.memory_space<vmem>>, %arg10: memref<12816xi32, #tpu.memory_space<vmem>>, %arg11: memref<64xf32, #tpu.memory_space<vmem>>, %arg12: memref<64xi32, #tpu.memory_space<vmem>>, %arg13: memref<512xf32, #tpu.memory_space<vmem>>, %arg14: memref<512xi32, #tpu.memory_space<vmem>>, %arg15: memref<64xf32, #tpu.memory_space<vmem>>, %arg16: memref<64x128xf32, #tpu.memory_space<vmem>>, %arg17: memref<64x128xf32, #tpu.memory_space<vmem>>, %arg18: memref<128xf32, #tpu.memory_space<vmem>>, %arg19: memref<128xf32, #tpu.memory_space<vmem>>, %arg20: memref<16xf32, #tpu.memory_space<vmem>>, %arg21: memref<2x512xf32, #tpu.memory_space<vmem_shared>>, %arg22: memref<2x512xi32, #tpu.memory_space<vmem_shared>>, %arg23: memref<2x128xf32, #tpu.memory_space<vmem_shared>>, %arg24: memref<!tpu.dma_semaphore, #tpu.memory_space<semaphore_mem>>) attributes {dimension_semantics = [#tpu.dimension_semantics<core_parallel>, #tpu.dimension_semantics<subcore_parallel>], iteration_bounds = array<i64: 2, 16>, scalar_prefetch = 0 : i64, scratch_operands = 17 : i64, tpu.core_type = #tpu.core_type<sc_vector_subcore>, window_params = [{transform_indices = #map}, {transform_indices = #map}, {transform_indices = #map}, {transform_indices = #map1}, {transform_indices = #map}, {transform_indices = #map}]} {
    %jit3A = arith.constant 8 : i32
    %div3A = arith.divsi %arg1, %jit3A : i32
    %sign3A = arith.constant 0 : i32
    %sign3A_0 = arith.cmpi sgt, %arg1, %sign3A : i32
    %sign3A_1 = arith.extui %sign3A_0 : i1 to i32
    %sign3A_2 = arith.constant 0 : i32
    %sign3A_3 = arith.cmpi slt, %arg1, %sign3A_2 : i32
    %sign3A_4 = arith.extui %sign3A_3 : i1 to i32
    %sign3A_5 = arith.subi %sign3A_1, %sign3A_4 : i32
    %sign3A_6 = arith.constant 0 : i32
    %sign3A_7 = arith.cmpi sgt, %jit3A, %sign3A_6 : i32
    %sign3A_8 = arith.extui %sign3A_7 : i1 to i32
    %sign3A_9 = arith.constant 0 : i32
    %sign3A_10 = arith.cmpi slt, %jit3A, %sign3A_9 : i32
    %sign3A_11 = arith.extui %sign3A_10 : i1 to i32
    %sign3A_12 = arith.subi %sign3A_8, %sign3A_11 : i32
    %ne3A = arith.cmpi ne, %sign3A_5, %sign3A_12 : i32
    %rem3A = arith.remsi %arg1, %jit3A : i32
    %ne3A_13 = arith.constant 0 : i32
    %ne3A_14 = arith.cmpi ne, %rem3A, %ne3A_13 : i32
    %and3A = arith.andi %ne3A, %ne3A_14 : i1
    %sub3A = arith.constant 1 : i32
    %sub3A_15 = arith.subi %div3A, %sub3A : i32
    %select_n3A = arith.select %and3A, %sub3A_15, %div3A : i32
    %jit3A_16 = arith.constant 8 : i32
    %eq3A = arith.constant 0 : i32
    %eq3A_17 = arith.cmpi eq, %jit3A_16, %eq3A : i32
    %jit3A_18 = arith.constant 1 : i32
    %select_n3A_19 = arith.select %eq3A_17, %jit3A_18, %jit3A_16 : i32
    %rem3A_20 = arith.remsi %arg1, %select_n3A_19 : i32
    %ne3A_21 = arith.constant 0 : i32
    %ne3A_22 = arith.cmpi ne, %rem3A_20, %ne3A_21 : i32
    %lt3A = arith.constant 0 : i32
    %lt3A_23 = arith.cmpi slt, %rem3A_20, %lt3A : i32
    %lt3A_24 = arith.constant 0 : i32
    %lt3A_25 = arith.cmpi slt, %select_n3A_19, %lt3A_24 : i32
    %ne3A_26 = arith.xori %lt3A_23, %lt3A_25 : i1
    %and3A_27 = arith.andi %ne3A_26, %ne3A_22 : i1
    %add3A = arith.addi %rem3A_20, %select_n3A_19 : i32
    %select_n3A_28 = arith.select %and3A_27, %add3A, %rem3A_20 : i32
    %mul3A = arith.constant 2 : i32
    %mul3A_29 = arith.muli %arg0, %mul3A : i32
    %add3A_30 = arith.addi %mul3A_29, %select_n3A : i32
    %broadcast_in_dim3A = arith.constant 0x7F800000 : f32
    %broadcast_in_dim3A_31 = vector.broadcast %broadcast_in_dim3A : f32 to vector<16xf32>
    %broadcast_in_dim3A_32 = arith.constant 0 : i32
    %broadcast_in_dim3A_33 = vector.broadcast %broadcast_in_dim3A_32 : i32 to vector<16xi32>
    %iota3A = tpu.iota {dimensions = array<i32: 0>} : vector<16xi32>
    %eq3A_34 = arith.constant 0 : i32
    %eq3A_35 = vector.broadcast %eq3A_34 : i32 to vector<16xi32>
    %eq3A_36 = arith.cmpi eq, %iota3A, %eq3A_35 : vector<16xi32>
    %mul3A_37 = arith.constant 12800 : i32
    %mul3A_38 = arith.muli %select_n3A_28, %mul3A_37 : i32
    "tpu.region"() ({
      %run_scoped3A = tpu.sem_alloc : memref<!tpu.dma_semaphore, #tpu.memory_space<semaphore_mem>>
      %dma_start3A = tpu.memref_slice %arg2[%add3A_30, %mul3A_38] : memref<4x102400xf32, #tpu.memory_space<hbm>> -> memref<1x12800xf32, #tpu.memory_space<hbm>>
      %dma_start3A_159 = tpu.memref_squeeze %dma_start3A : memref<1x12800xf32, #tpu.memory_space<hbm>> -> memref<12800xf32, #tpu.memory_space<hbm>>
      %dma_start3A_160 = tpu.memref_slice %arg2[%add3A_30, %mul3A_38] : memref<4x102400xf32, #tpu.memory_space<hbm>> -> memref<1x12800xf32, #tpu.memory_space<hbm>>
      %dma_start3A_161 = tpu.memref_squeeze %dma_start3A_160 : memref<1x12800xf32, #tpu.memory_space<hbm>> -> memref<12800xf32, #tpu.memory_space<hbm>>
      tpu.enqueue_dma source(%dma_start3A_161 : memref<12800xf32, #tpu.memory_space<hbm>>) target(%arg8 : memref<12800xf32, #tpu.memory_space<vmem>>) target_semaphore(%run_scoped3A : memref<!tpu.dma_semaphore, #tpu.memory_space<semaphore_mem>>)
      %dma_wait3A = tpu.memref_slice %arg2[%add3A_30, %mul3A_38] : memref<4x102400xf32, #tpu.memory_space<hbm>> -> memref<1x12800xf32, #tpu.memory_space<hbm>>
      %dma_wait3A_162 = tpu.memref_squeeze %dma_wait3A : memref<1x12800xf32, #tpu.memory_space<hbm>> -> memref<12800xf32, #tpu.memory_space<hbm>>
      %dma_wait3A_163 = tpu.memref_slice %arg2[%add3A_30, %mul3A_38] : memref<4x102400xf32, #tpu.memory_space<hbm>> -> memref<1x12800xf32, #tpu.memory_space<hbm>>
      %dma_wait3A_164 = tpu.memref_squeeze %dma_wait3A_163 : memref<1x12800xf32, #tpu.memory_space<hbm>> -> memref<12800xf32, #tpu.memory_space<hbm>>
      tpu.wait_dma2 semaphore(%run_scoped3A : memref<!tpu.dma_semaphore, #tpu.memory_space<semaphore_mem>>) src(%dma_wait3A_164 : memref<12800xf32, #tpu.memory_space<hbm>>) dst(%arg8 : memref<12800xf32, #tpu.memory_space<vmem>>)
      tpu.yield
    }) : () -> ()
    %scan3A = arith.constant 0 : i32
    %scan3A_39 = arith.constant 800 : i32
    %scan3A_40 = arith.addi %scan3A, %scan3A_39 : i32
    %scan3A_41 = arith.constant 1 : i32
    %scan3A_42:4 = scf.for %scan3A_159 = %scan3A to %scan3A_40 step %scan3A_41 iter_args(%scan3A_160 = %broadcast_in_dim3A_31, %scan3A_161 = %broadcast_in_dim3A_31, %scan3A_162 = %broadcast_in_dim3A_31, %scan3A_163 = %broadcast_in_dim3A_31) -> (vector<16xf32>, vector<16xf32>, vector<16xf32>, vector<16xf32>)  : i32 {
      %mul3A_164 = arith.constant 16 : i32
      %mul3A_165 = arith.muli %scan3A_159, %mul3A_164 : i32
      %get3A_166 = arith.index_cast %mul3A_165 : i32 to index
      %get3A_167 = tpu.vector_load %arg8[%get3A_166] {strides = array<i32>} : memref<12800xf32, #tpu.memory_space<vmem>>, vector<16xf32>,
      %max3A = arith.maximumf %scan3A_160, %get3A_167 : vector<16xf32>
      %min3A_168 = arith.minimumf %scan3A_160, %get3A_167 : vector<16xf32>
      %max3A_169 = arith.maximumf %scan3A_161, %max3A : vector<16xf32>
      %min3A_170 = arith.minimumf %scan3A_161, %max3A : vector<16xf32>
      %max3A_171 = arith.maximumf %scan3A_162, %max3A_169 : vector<16xf32>
      %min3A_172 = arith.minimumf %scan3A_162, %max3A_169 : vector<16xf32>
      %min3A_173 = arith.minimumf %scan3A_163, %max3A_171 : vector<16xf32>
      scf.yield %min3A_168, %min3A_170, %min3A_172, %min3A_173 : vector<16xf32>, vector<16xf32>, vector<16xf32>, vector<16xf32>
    }
    %scan3A_43 = arith.constant 800 : i32
    %reduce_max3A = arith.constant true
    %reduce_max3A_44 = vector.broadcast %reduce_max3A : i1 to vector<16xi1>
    %reduce_max3A_45 = tpu.scan <max>, %scan3A_42#3 masked %reduce_max3A_44 : vector<16xf32>, vector<16xi1> -> vector<16xf32>
    %reduce_max3A_46 = vector.extract %reduce_max3A_45[15] : f32 from vector<16xf32>
    %broadcast_in_dim3A_47 = vector.broadcast %reduce_max3A_46 : f32 to vector<16xf32>
    %swap3A = arith.constant 0 : index
    %swap3A_48 = tpu.vector_load %arg18[%swap3A] {strides = array<i32>} : memref<128xf32, #tpu.memory_space<vmem>>, vector<16xf32>,
    tpu.vector_store %arg18[%swap3A], %broadcast_in_dim3A_47 {strides = array<i32>} : memref<128xf32, #tpu.memory_space<vmem>>, vector<16xf32>,
    %mul3A_49 = arith.constant 16 : i32
    %mul3A_50 = arith.muli %select_n3A_28, %mul3A_49 : i32
    "tpu.region"() ({
      %run_scoped3A = tpu.sem_alloc : memref<!tpu.dma_semaphore, #tpu.memory_space<semaphore_mem>>
      %dma_start3A = arith.constant 0 : i32
      %dma_start3A_159 = tpu.memref_slice %arg18[%dma_start3A] : memref<128xf32, #tpu.memory_space<vmem>> -> memref<16xf32, #tpu.memory_space<vmem>>
      %dma_start3A_160 = tpu.memref_slice %arg23[%select_n3A, %mul3A_50] : memref<2x128xf32, #tpu.memory_space<vmem_shared>> -> memref<1x16xf32, #tpu.memory_space<vmem_shared>>
      %dma_start3A_161 = tpu.memref_squeeze %dma_start3A_160 : memref<1x16xf32, #tpu.memory_space<vmem_shared>> -> memref<16xf32, #tpu.memory_space<vmem_shared>>
      %dma_start3A_162 = tpu.memref_slice %arg23[%select_n3A, %mul3A_50] : memref<2x128xf32, #tpu.memory_space<vmem_shared>> -> memref<1x16xf32, #tpu.memory_space<vmem_shared>>
      %dma_start3A_163 = tpu.memref_squeeze %dma_start3A_162 : memref<1x16xf32, #tpu.memory_space<vmem_shared>> -> memref<16xf32, #tpu.memory_space<vmem_shared>>
      %dma_start3A_164 = arith.constant 0 : i32
      %dma_start3A_165 = tpu.memref_slice %arg18[%dma_start3A_164] : memref<128xf32, #tpu.memory_space<vmem>> -> memref<16xf32, #tpu.memory_space<vmem>>
      tpu.enqueue_dma source(%dma_start3A_165 : memref<16xf32, #tpu.memory_space<vmem>>) target(%dma_start3A_163 : memref<16xf32, #tpu.memory_space<vmem_shared>>) target_semaphore(%run_scoped3A : memref<!tpu.dma_semaphore, #tpu.memory_space<semaphore_mem>>)
      %dma_wait3A = arith.constant 0 : i32
      %dma_wait3A_166 = tpu.memref_slice %arg18[%dma_wait3A] : memref<128xf32, #tpu.memory_space<vmem>> -> memref<16xf32, #tpu.memory_space<vmem>>
      %dma_wait3A_167 = tpu.memref_slice %arg23[%select_n3A, %mul3A_50] : memref<2x128xf32, #tpu.memory_space<vmem_shared>> -> memref<1x16xf32, #tpu.memory_space<vmem_shared>>
      %dma_wait3A_168 = tpu.memref_squeeze %dma_wait3A_167 : memref<1x16xf32, #tpu.memory_space<vmem_shared>> -> memref<16xf32, #tpu.memory_space<vmem_shared>>
      %dma_wait3A_169 = tpu.memref_slice %arg23[%select_n3A, %mul3A_50] : memref<2x128xf32, #tpu.memory_space<vmem_shared>> -> memref<1x16xf32, #tpu.memory_space<vmem_shared>>
      %dma_wait3A_170 = tpu.memref_squeeze %dma_wait3A_169 : memref<1x16xf32, #tpu.memory_space<vmem_shared>> -> memref<16xf32, #tpu.memory_space<vmem_shared>>
      %dma_wait3A_171 = arith.constant 0 : i32
      %dma_wait3A_172 = tpu.memref_slice %arg18[%dma_wait3A_171] : memref<128xf32, #tpu.memory_space<vmem>> -> memref<16xf32, #tpu.memory_space<vmem>>
      tpu.wait_dma2 semaphore(%run_scoped3A : memref<!tpu.dma_semaphore, #tpu.memory_space<semaphore_mem>>) src(%dma_wait3A_172 : memref<16xf32, #tpu.memory_space<vmem>>) dst(%dma_wait3A_170 : memref<16xf32, #tpu.memory_space<vmem_shared>>)
      tpu.yield
    }) : () -> ()
    %barrier3A = arith.constant 0 : index
    tpu.barrier barrier_id(%barrier3A)
    "tpu.region"() ({
      %run_scoped3A = tpu.sem_alloc : memref<!tpu.dma_semaphore, #tpu.memory_space<semaphore_mem>>
      %dma_start3A = arith.constant 0 : i32
      %dma_start3A_159 = tpu.memref_slice %arg23[%select_n3A, %dma_start3A] : memref<2x128xf32, #tpu.memory_space<vmem_shared>> -> memref<1x128xf32, #tpu.memory_space<vmem_shared>>
      %dma_start3A_160 = tpu.memref_squeeze %dma_start3A_159 : memref<1x128xf32, #tpu.memory_space<vmem_shared>> -> memref<128xf32, #tpu.memory_space<vmem_shared>>
      %dma_start3A_161 = arith.constant 0 : i32
      %dma_start3A_162 = tpu.memref_slice %arg23[%select_n3A, %dma_start3A_161] : memref<2x128xf32, #tpu.memory_space<vmem_shared>> -> memref<1x128xf32, #tpu.memory_space<vmem_shared>>
      %dma_start3A_163 = tpu.memref_squeeze %dma_start3A_162 : memref<1x128xf32, #tpu.memory_space<vmem_shared>> -> memref<128xf32, #tpu.memory_space<vmem_shared>>
      tpu.enqueue_dma source(%dma_start3A_163 : memref<128xf32, #tpu.memory_space<vmem_shared>>) target(%arg19 : memref<128xf32, #tpu.memory_space<vmem>>) target_semaphore(%run_scoped3A : memref<!tpu.dma_semaphore, #tpu.memory_space<semaphore_mem>>)
      %dma_wait3A = arith.constant 0 : i32
      %dma_wait3A_164 = tpu.memref_slice %arg23[%select_n3A, %dma_wait3A] : memref<2x128xf32, #tpu.memory_space<vmem_shared>> -> memref<1x128xf32, #tpu.memory_space<vmem_shared>>
      %dma_wait3A_165 = tpu.memref_squeeze %dma_wait3A_164 : memref<1x128xf32, #tpu.memory_space<vmem_shared>> -> memref<128xf32, #tpu.memory_space<vmem_shared>>
      %dma_wait3A_166 = arith.constant 0 : i32
      %dma_wait3A_167 = tpu.memref_slice %arg23[%select_n3A, %dma_wait3A_166] : memref<2x128xf32, #tpu.memory_space<vmem_shared>> -> memref<1x128xf32, #tpu.memory_space<vmem_shared>>
      %dma_wait3A_168 = tpu.memref_squeeze %dma_wait3A_167 : memref<1x128xf32, #tpu.memory_space<vmem_shared>> -> memref<128xf32, #tpu.memory_space<vmem_shared>>
      tpu.wait_dma2 semaphore(%run_scoped3A : memref<!tpu.dma_semaphore, #tpu.memory_space<semaphore_mem>>) src(%dma_wait3A_168 : memref<128xf32, #tpu.memory_space<vmem_shared>>) dst(%arg19 : memref<128xf32, #tpu.memory_space<vmem>>)
      tpu.yield
    }) : () -> ()
    %get3A = arith.constant 0 : index
    %get3A_51 = tpu.vector_load %arg19[%get3A] {strides = array<i32>} : memref<128xf32, #tpu.memory_space<vmem>>, vector<16xf32>,
    %min3A = arith.minimumf %broadcast_in_dim3A_31, %get3A_51 : vector<16xf32>
    %get3A_52 = arith.constant 16 : index
    %get3A_53 = tpu.vector_load %arg19[%get3A_52] {strides = array<i32>} : memref<128xf32, #tpu.memory_space<vmem>>, vector<16xf32>,
    %min3A_54 = arith.minimumf %min3A, %get3A_53 : vector<16xf32>
    %get3A_55 = arith.constant 32 : index
    %get3A_56 = tpu.vector_load %arg19[%get3A_55] {strides = array<i32>} : memref<128xf32, #tpu.memory_space<vmem>>, vector<16xf32>,
    %min3A_57 = arith.minimumf %min3A_54, %get3A_56 : vector<16xf32>
    %get3A_58 = arith.constant 48 : index
    %get3A_59 = tpu.vector_load %arg19[%get3A_58] {strides = array<i32>} : memref<128xf32, #tpu.memory_space<vmem>>, vector<16xf32>,
    %min3A_60 = arith.minimumf %min3A_57, %get3A_59 : vector<16xf32>
    %get3A_61 = arith.constant 64 : index
    %get3A_62 = tpu.vector_load %arg19[%get3A_61] {strides = array<i32>} : memref<128xf32, #tpu.memory_space<vmem>>, vector<16xf32>,
    %min3A_63 = arith.minimumf %min3A_60, %get3A_62 : vector<16xf32>
    %get3A_64 = arith.constant 80 : index
    %get3A_65 = tpu.vector_load %arg19[%get3A_64] {strides = array<i32>} : memref<128xf32, #tpu.memory_space<vmem>>, vector<16xf32>,
    %min3A_66 = arith.minimumf %min3A_63, %get3A_65 : vector<16xf32>
    %get3A_67 = arith.constant 96 : index
    %get3A_68 = tpu.vector_load %arg19[%get3A_67] {strides = array<i32>} : memref<128xf32, #tpu.memory_space<vmem>>, vector<16xf32>,
    %min3A_69 = arith.minimumf %min3A_66, %get3A_68 : vector<16xf32>
    %get3A_70 = arith.constant 112 : index
    %get3A_71 = tpu.vector_load %arg19[%get3A_70] {strides = array<i32>} : memref<128xf32, #tpu.memory_space<vmem>>, vector<16xf32>,
    %min3A_72 = arith.minimumf %min3A_69, %get3A_71 : vector<16xf32>
    %reduce_min3A = arith.constant true
    %reduce_min3A_73 = vector.broadcast %reduce_min3A : i1 to vector<16xi1>
    %reduce_min3A_74 = tpu.scan <min>, %min3A_72 masked %reduce_min3A_73 : vector<16xf32>, vector<16xi1> -> vector<16xf32>
    %reduce_min3A_75 = vector.extract %reduce_min3A_74[15] : f32 from vector<16xf32>
    %broadcast_in_dim3A_76 = vector.broadcast %reduce_min3A_75 : f32 to vector<16xf32>
    %mul3A_77 = arith.constant 12800 : i32
    %mul3A_78 = arith.muli %select_n3A_28, %mul3A_77 : i32
    %scan3A_79 = arith.constant 0 : i32
    %scan3A_80 = arith.constant 0 : i32
    %scan3A_81 = arith.constant 200 : i32
    %scan3A_82 = arith.addi %scan3A_80, %scan3A_81 : i32
    %scan3A_83 = arith.constant 1 : i32
    %scan3A_84 = scf.for %scan3A_159 = %scan3A_80 to %scan3A_82 step %scan3A_83 iter_args(%scan3A_160 = %scan3A_79) -> (i32)  : i32 {
      %mul3A_161 = arith.constant 64 : i32
      %mul3A_162 = arith.muli %scan3A_159, %mul3A_161 : i32
      %add3A_163 = arith.constant 0 : i32
      %add3A_164 = arith.addi %mul3A_162, %add3A_163 : i32
      %get3A_165 = arith.index_cast %add3A_164 : i32 to index
      %get3A_166 = tpu.vector_load %arg8[%get3A_165] {strides = array<i32>} : memref<12800xf32, #tpu.memory_space<vmem>>, vector<16xf32>,
      %mul3A_167 = arith.constant 64 : i32
      %mul3A_168 = arith.muli %scan3A_159, %mul3A_167 : i32
      %add3A_169 = arith.constant 16 : i32
      %add3A_170 = arith.addi %mul3A_168, %add3A_169 : i32
      %get3A_171 = arith.index_cast %add3A_170 : i32 to index
      %get3A_172 = tpu.vector_load %arg8[%get3A_171] {strides = array<i32>} : memref<12800xf32, #tpu.memory_space<vmem>>, vector<16xf32>,
      %mul3A_173 = arith.constant 64 : i32
      %mul3A_174 = arith.muli %scan3A_159, %mul3A_173 : i32
      %add3A_175 = arith.constant 32 : i32
      %add3A_176 = arith.addi %mul3A_174, %add3A_175 : i32
      %get3A_177 = arith.index_cast %add3A_176 : i32 to index
      %get3A_178 = tpu.vector_load %arg8[%get3A_177] {strides = array<i32>} : memref<12800xf32, #tpu.memory_space<vmem>>, vector<16xf32>,
      %mul3A_179 = arith.constant 64 : i32
      %mul3A_180 = arith.muli %scan3A_159, %mul3A_179 : i32
      %add3A_181 = arith.constant 48 : i32
      %add3A_182 = arith.addi %mul3A_180, %add3A_181 : i32
      %get3A_183 = arith.index_cast %add3A_182 : i32 to index
      %get3A_184 = tpu.vector_load %arg8[%get3A_183] {strides = array<i32>} : memref<12800xf32, #tpu.memory_space<vmem>>, vector<16xf32>,
      %le3A = arith.cmpf ole, %get3A_166, %broadcast_in_dim3A_76 : vector<16xf32>
      %le3A_185 = arith.cmpf ole, %get3A_172, %broadcast_in_dim3A_76 : vector<16xf32>
      %le3A_186 = arith.cmpf ole, %get3A_178, %broadcast_in_dim3A_76 : vector<16xf32>
      %le3A_187 = arith.cmpf ole, %get3A_184, %broadcast_in_dim3A_76 : vector<16xf32>
      %broadcast_in_dim3A_188 = arith.constant 1 : i32
      %broadcast_in_dim3A_189 = vector.broadcast %broadcast_in_dim3A_188 : i32 to vector<16xi32>
      %broadcast_in_dim3A_190 = arith.constant 0 : i32
      %broadcast_in_dim3A_191 = vector.broadcast %broadcast_in_dim3A_190 : i32 to vector<16xi32>
      %select_n3A_192 = arith.select %le3A, %broadcast_in_dim3A_189, %broadcast_in_dim3A_191 : vector<16xi1>, vector<16xi32>
      %add3A_193 = arith.addi %broadcast_in_dim3A_191, %select_n3A_192 : vector<16xi32>
      %select_n3A_194 = arith.select %le3A_185, %broadcast_in_dim3A_189, %broadcast_in_dim3A_191 : vector<16xi1>, vector<16xi32>
      %add3A_195 = arith.addi %add3A_193, %select_n3A_194 : vector<16xi32>
      %select_n3A_196 = arith.select %le3A_186, %broadcast_in_dim3A_189, %broadcast_in_dim3A_191 : vector<16xi1>, vector<16xi32>
      %add3A_197 = arith.addi %add3A_195, %select_n3A_196 : vector<16xi32>
      %select_n3A_198 = arith.select %le3A_187, %broadcast_in_dim3A_189, %broadcast_in_dim3A_191 : vector<16xi1>, vector<16xi32>
      %add3A_199 = arith.addi %add3A_197, %select_n3A_198 : vector<16xi32>
      %reduce_sum3A = arith.constant true
      %reduce_sum3A_200 = vector.broadcast %reduce_sum3A : i1 to vector<16xi1>
      %reduce_sum3A_201 = tpu.scan <sum>, %add3A_199 masked %reduce_sum3A_200 : vector<16xi32>, vector<16xi1> -> vector<16xi32>
      %reduce_sum3A_202 = vector.extract %reduce_sum3A_201[15] : i32 from vector<16xi32>
      %gt3A = arith.constant 0 : i32
      %gt3A_203 = arith.cmpi sgt, %reduce_sum3A_202, %gt3A : i32
      %convert_element_type3A_204 = arith.extui %gt3A_203 : i1 to i32
      %cond3A_205 = arith.constant 0 : i32
      %cond3A_206 = arith.cmpi ne, %convert_element_type3A_204, %cond3A_205 : i32
      scf.if %cond3A_206 {
        %all_reduce_population_count3A = tpu.all_reduce %le3A {dim = 0 : i64, kind = #tpu.reduction_kind<sum>} : vector<16xi1> -> vector<16xi32>
        %reduce_max3A_208 = arith.constant true
        %reduce_max3A_209 = vector.broadcast %reduce_max3A_208 : i1 to vector<16xi1>
        %reduce_max3A_210 = arith.constant -2147483648 : i32
        %reduce_max3A_211 = vector.broadcast %reduce_max3A_210 : i32 to vector<16xi32>
        %reduce_max3A_212 = arith.xori %all_reduce_population_count3A, %reduce_max3A_211 : vector<16xi32>
        %reduce_max3A_213 = tpu.scan <max>, %reduce_max3A_212 masked %reduce_max3A_209 : vector<16xi32>, vector<16xi1> -> vector<16xi32>
        %reduce_max3A_214 = arith.xori %reduce_max3A_213, %reduce_max3A_211 : vector<16xi32>
        %reduce_max3A_215 = vector.extract %reduce_max3A_214[15] : i32 from vector<16xi32>
        %all_reduce_population_count3A_216 = tpu.all_reduce %le3A_185 {dim = 0 : i64, kind = #tpu.reduction_kind<sum>} : vector<16xi1> -> vector<16xi32>
        %reduce_max3A_217 = arith.constant true
        %reduce_max3A_218 = vector.broadcast %reduce_max3A_217 : i1 to vector<16xi1>
        %reduce_max3A_219 = arith.constant -2147483648 : i32
        %reduce_max3A_220 = vector.broadcast %reduce_max3A_219 : i32 to vector<16xi32>
        %reduce_max3A_221 = arith.xori %all_reduce_population_count3A_216, %reduce_max3A_220 : vector<16xi32>
        %reduce_max3A_222 = tpu.scan <max>, %reduce_max3A_221 masked %reduce_max3A_218 : vector<16xi32>, vector<16xi1> -> vector<16xi32>
        %reduce_max3A_223 = arith.xori %reduce_max3A_222, %reduce_max3A_220 : vector<16xi32>
        %reduce_max3A_224 = vector.extract %reduce_max3A_223[15] : i32 from vector<16xi32>
        %all_reduce_population_count3A_225 = tpu.all_reduce %le3A_186 {dim = 0 : i64, kind = #tpu.reduction_kind<sum>} : vector<16xi1> -> vector<16xi32>
        %reduce_max3A_226 = arith.constant true
        %reduce_max3A_227 = vector.broadcast %reduce_max3A_226 : i1 to vector<16xi1>
        %reduce_max3A_228 = arith.constant -2147483648 : i32
        %reduce_max3A_229 = vector.broadcast %reduce_max3A_228 : i32 to vector<16xi32>
        %reduce_max3A_230 = arith.xori %all_reduce_population_count3A_225, %reduce_max3A_229 : vector<16xi32>
        %reduce_max3A_231 = tpu.scan <max>, %reduce_max3A_230 masked %reduce_max3A_227 : vector<16xi32>, vector<16xi1> -> vector<16xi32>
        %reduce_max3A_232 = arith.xori %reduce_max3A_231, %reduce_max3A_229 : vector<16xi32>
        %reduce_max3A_233 = vector.extract %reduce_max3A_232[15] : i32 from vector<16xi32>
        %all_reduce_population_count3A_234 = tpu.all_reduce %le3A_187 {dim = 0 : i64, kind = #tpu.reduction_kind<sum>} : vector<16xi1> -> vector<16xi32>
        %reduce_max3A_235 = arith.constant true
        %reduce_max3A_236 = vector.broadcast %reduce_max3A_235 : i1 to vector<16xi1>
        %reduce_max3A_237 = arith.constant -2147483648 : i32
        %reduce_max3A_238 = vector.broadcast %reduce_max3A_237 : i32 to vector<16xi32>
        %reduce_max3A_239 = arith.xori %all_reduce_population_count3A_234, %reduce_max3A_238 : vector<16xi32>
        %reduce_max3A_240 = tpu.scan <max>, %reduce_max3A_239 masked %reduce_max3A_236 : vector<16xi32>, vector<16xi1> -> vector<16xi32>
        %reduce_max3A_241 = arith.xori %reduce_max3A_240, %reduce_max3A_238 : vector<16xi32>
        %reduce_max3A_242 = vector.extract %reduce_max3A_241[15] : i32 from vector<16xi32>
        %mul3A_243 = arith.constant 64 : i32
        %mul3A_244 = arith.muli %scan3A_159, %mul3A_243 : i32
        %add3A_245 = arith.addi %mul3A_78, %mul3A_244 : i32
        %add3A_246 = arith.constant 0 : i32
        %add3A_247 = arith.addi %add3A_245, %add3A_246 : i32
        %broadcast_in_dim3A_248 = vector.broadcast %add3A_247 : i32 to vector<16xi32>
        %add3A_249 = arith.addi %broadcast_in_dim3A_248, %iota3A : vector<16xi32>
        %swap3A_250 = arith.index_cast %scan3A_160 : i32 to index
        %swap3A_251 = tpu.vector_load %arg9[%swap3A_250] masked %le3A {strides = array<i32>} : memref<12816xf32, #tpu.memory_space<vmem>>, vector<16xf32>, vector<16xi1>
        tpu.vector_store %arg9[%swap3A_250], %get3A_166 masked %le3A {strides = array<i32>} : memref<12816xf32, #tpu.memory_space<vmem>>, vector<16xf32>, vector<16xi1>
        %swap3A_252 = arith.index_cast %scan3A_160 : i32 to index
        %swap3A_253 = tpu.vector_load %arg10[%swap3A_252] masked %le3A {strides = array<i32>} : memref<12816xi32, #tpu.memory_space<vmem>>, vector<16xi32>, vector<16xi1>
        tpu.vector_store %arg10[%swap3A_252], %add3A_249 masked %le3A {strides = array<i32>} : memref<12816xi32, #tpu.memory_space<vmem>>, vector<16xi32>, vector<16xi1>
        %add3A_254 = arith.addi %scan3A_160, %reduce_max3A_215 : i32
        %mul3A_255 = arith.constant 64 : i32
        %mul3A_256 = arith.muli %scan3A_159, %mul3A_255 : i32
        %add3A_257 = arith.addi %mul3A_78, %mul3A_256 : i32
        %add3A_258 = arith.constant 16 : i32
        %add3A_259 = arith.addi %add3A_257, %add3A_258 : i32
        %broadcast_in_dim3A_260 = vector.broadcast %add3A_259 : i32 to vector<16xi32>
        %add3A_261 = arith.addi %broadcast_in_dim3A_260, %iota3A : vector<16xi32>
        %swap3A_262 = arith.index_cast %add3A_254 : i32 to index
        %swap3A_263 = tpu.vector_load %arg9[%swap3A_262] masked %le3A_185 {strides = array<i32>} : memref<12816xf32, #tpu.memory_space<vmem>>, vector<16xf32>, vector<16xi1>
        tpu.vector_store %arg9[%swap3A_262], %get3A_172 masked %le3A_185 {strides = array<i32>} : memref<12816xf32, #tpu.memory_space<vmem>>, vector<16xf32>, vector<16xi1>
        %swap3A_264 = arith.index_cast %add3A_254 : i32 to index
        %swap3A_265 = tpu.vector_load %arg10[%swap3A_264] masked %le3A_185 {strides = array<i32>} : memref<12816xi32, #tpu.memory_space<vmem>>, vector<16xi32>, vector<16xi1>
        tpu.vector_store %arg10[%swap3A_264], %add3A_261 masked %le3A_185 {strides = array<i32>} : memref<12816xi32, #tpu.memory_space<vmem>>, vector<16xi32>, vector<16xi1>
        %add3A_266 = arith.addi %add3A_254, %reduce_max3A_224 : i32
        %mul3A_267 = arith.constant 64 : i32
        %mul3A_268 = arith.muli %scan3A_159, %mul3A_267 : i32
        %add3A_269 = arith.addi %mul3A_78, %mul3A_268 : i32
        %add3A_270 = arith.constant 32 : i32
        %add3A_271 = arith.addi %add3A_269, %add3A_270 : i32
        %broadcast_in_dim3A_272 = vector.broadcast %add3A_271 : i32 to vector<16xi32>
        %add3A_273 = arith.addi %broadcast_in_dim3A_272, %iota3A : vector<16xi32>
        %swap3A_274 = arith.index_cast %add3A_266 : i32 to index
        %swap3A_275 = tpu.vector_load %arg9[%swap3A_274] masked %le3A_186 {strides = array<i32>} : memref<12816xf32, #tpu.memory_space<vmem>>, vector<16xf32>, vector<16xi1>
        tpu.vector_store %arg9[%swap3A_274], %get3A_178 masked %le3A_186 {strides = array<i32>} : memref<12816xf32, #tpu.memory_space<vmem>>, vector<16xf32>, vector<16xi1>
        %swap3A_276 = arith.index_cast %add3A_266 : i32 to index
        %swap3A_277 = tpu.vector_load %arg10[%swap3A_276] masked %le3A_186 {strides = array<i32>} : memref<12816xi32, #tpu.memory_space<vmem>>, vector<16xi32>, vector<16xi1>
        tpu.vector_store %arg10[%swap3A_276], %add3A_273 masked %le3A_186 {strides = array<i32>} : memref<12816xi32, #tpu.memory_space<vmem>>, vector<16xi32>, vector<16xi1>
        %add3A_278 = arith.addi %add3A_266, %reduce_max3A_233 : i32
        %mul3A_279 = arith.constant 64 : i32
        %mul3A_280 = arith.muli %scan3A_159, %mul3A_279 : i32
        %add3A_281 = arith.addi %mul3A_78, %mul3A_280 : i32
        %add3A_282 = arith.constant 48 : i32
        %add3A_283 = arith.addi %add3A_281, %add3A_282 : i32
        %broadcast_in_dim3A_284 = vector.broadcast %add3A_283 : i32 to vector<16xi32>
        %add3A_285 = arith.addi %broadcast_in_dim3A_284, %iota3A : vector<16xi32>
        %swap3A_286 = arith.index_cast %add3A_278 : i32 to index
        %swap3A_287 = tpu.vector_load %arg9[%swap3A_286] masked %le3A_187 {strides = array<i32>} : memref<12816xf32, #tpu.memory_space<vmem>>, vector<16xf32>, vector<16xi1>
        tpu.vector_store %arg9[%swap3A_286], %get3A_184 masked %le3A_187 {strides = array<i32>} : memref<12816xf32, #tpu.memory_space<vmem>>, vector<16xf32>, vector<16xi1>
        %swap3A_288 = arith.index_cast %add3A_278 : i32 to index
        %swap3A_289 = tpu.vector_load %arg10[%swap3A_288] masked %le3A_187 {strides = array<i32>} : memref<12816xi32, #tpu.memory_space<vmem>>, vector<16xi32>, vector<16xi1>
        tpu.vector_store %arg10[%swap3A_288], %add3A_285 masked %le3A_187 {strides = array<i32>} : memref<12816xi32, #tpu.memory_space<vmem>>, vector<16xi32>, vector<16xi1>
        %add3A_290 = arith.addi %add3A_278, %reduce_max3A_242 : i32
      } else {
      }
      %add3A_207 = arith.addi %scan3A_160, %reduce_sum3A_202 : i32
      scf.yield %add3A_207 : i32
    }
    %scan3A_85 = arith.constant 200 : i32
    %swap3A_86 = arith.index_cast %scan3A_84 : i32 to index
    %swap3A_87 = tpu.vector_load %arg9[%swap3A_86] {strides = array<i32>} : memref<12816xf32, #tpu.memory_space<vmem>>, vector<16xf32>,
    tpu.vector_store %arg9[%swap3A_86], %broadcast_in_dim3A_31 {strides = array<i32>} : memref<12816xf32, #tpu.memory_space<vmem>>, vector<16xf32>,
    %swap3A_88 = arith.index_cast %scan3A_84 : i32 to index
    %swap3A_89 = tpu.vector_load %arg10[%swap3A_88] {strides = array<i32>} : memref<12816xi32, #tpu.memory_space<vmem>>, vector<16xi32>,
    tpu.vector_store %arg10[%swap3A_88], %broadcast_in_dim3A_33 {strides = array<i32>} : memref<12816xi32, #tpu.memory_space<vmem>>, vector<16xi32>,
    %add3A_90 = arith.constant 16 : i32
    %add3A_91 = arith.addi %scan3A_84, %add3A_90 : i32
    %jit3A_92 = arith.constant 16 : i32
    %div3A_93 = arith.divsi %add3A_91, %jit3A_92 : i32
    %sign3A_94 = arith.constant 0 : i32
    %sign3A_95 = arith.cmpi sgt, %add3A_91, %sign3A_94 : i32
    %sign3A_96 = arith.extui %sign3A_95 : i1 to i32
    %sign3A_97 = arith.constant 0 : i32
    %sign3A_98 = arith.cmpi slt, %add3A_91, %sign3A_97 : i32
    %sign3A_99 = arith.extui %sign3A_98 : i1 to i32
    %sign3A_100 = arith.subi %sign3A_96, %sign3A_99 : i32
    %sign3A_101 = arith.constant 0 : i32
    %sign3A_102 = arith.cmpi sgt, %jit3A_92, %sign3A_101 : i32
    %sign3A_103 = arith.extui %sign3A_102 : i1 to i32
    %sign3A_104 = arith.constant 0 : i32
    %sign3A_105 = arith.cmpi slt, %jit3A_92, %sign3A_104 : i32
    %sign3A_106 = arith.extui %sign3A_105 : i1 to i32
    %sign3A_107 = arith.subi %sign3A_103, %sign3A_106 : i32
    %ne3A_108 = arith.cmpi ne, %sign3A_100, %sign3A_107 : i32
    %rem3A_109 = arith.remsi %add3A_91, %jit3A_92 : i32
    %ne3A_110 = arith.constant 0 : i32
    %ne3A_111 = arith.cmpi ne, %rem3A_109, %ne3A_110 : i32
    %and3A_112 = arith.andi %ne3A_108, %ne3A_111 : i1
    %sub3A_113 = arith.constant 1 : i32
    %sub3A_114 = arith.subi %div3A_93, %sub3A_113 : i32
    %select_n3A_115 = arith.select %and3A_112, %sub3A_114, %div3A_93 : i32
    %swap3A_116 = arith.constant 0 : index
    %swap3A_117 = tpu.vector_load %arg11[%swap3A_116] {strides = array<i32>} : memref<64xf32, #tpu.memory_space<vmem>>, vector<16xf32>,
    tpu.vector_store %arg11[%swap3A_116], %broadcast_in_dim3A_31 {strides = array<i32>} : memref<64xf32, #tpu.memory_space<vmem>>, vector<16xf32>,
    %add3A_118 = arith.constant 0 : i32
    %add3A_119 = vector.broadcast %add3A_118 : i32 to vector<16xi32>
    %add3A_120 = arith.addi %add3A_119, %iota3A : vector<16xi32>
    %swap3A_121 = arith.constant 0 : index
    %swap3A_122 = tpu.vector_load %arg12[%swap3A_121] {strides = array<i32>} : memref<64xi32, #tpu.memory_space<vmem>>, vector<16xi32>,
    tpu.vector_store %arg12[%swap3A_121], %add3A_120 {strides = array<i32>} : memref<64xi32, #tpu.memory_space<vmem>>, vector<16xi32>,
    %swap3A_123 = arith.constant 16 : index
    %swap3A_124 = tpu.vector_load %arg11[%swap3A_123] {strides = array<i32>} : memref<64xf32, #tpu.memory_space<vmem>>, vector<16xf32>,
    tpu.vector_store %arg11[%swap3A_123], %broadcast_in_dim3A_31 {strides = array<i32>} : memref<64xf32, #tpu.memory_space<vmem>>, vector<16xf32>,
    %add3A_125 = arith.constant 16 : i32
    %add3A_126 = vector.broadcast %add3A_125 : i32 to vector<16xi32>
    %add3A_127 = arith.addi %add3A_126, %iota3A : vector<16xi32>
    %swap3A_128 = arith.constant 16 : index
    %swap3A_129 = tpu.vector_load %arg12[%swap3A_128] {strides = array<i32>} : memref<64xi32, #tpu.memory_space<vmem>>, vector<16xi32>,
    tpu.vector_store %arg12[%swap3A_128], %add3A_127 {strides = array<i32>} : memref<64xi32, #tpu.memory_space<vmem>>, vector<16xi32>,
    %swap3A_130 = arith.constant 32 : index
    %swap3A_131 = tpu.vector_load %arg11[%swap3A_130] {strides = array<i32>} : memref<64xf32, #tpu.memory_space<vmem>>, vector<16xf32>,
    tpu.vector_store %arg11[%swap3A_130], %broadcast_in_dim3A_31 {strides = array<i32>} : memref<64xf32, #tpu.memory_space<vmem>>, vector<16xf32>,
    %add3A_132 = arith.constant 32 : i32
    %add3A_133 = vector.broadcast %add3A_132 : i32 to vector<16xi32>
    %add3A_134 = arith.addi %add3A_133, %iota3A : vector<16xi32>
    %swap3A_135 = arith.constant 32 : index
    %swap3A_136 = tpu.vector_load %arg12[%swap3A_135] {strides = array<i32>} : memref<64xi32, #tpu.memory_space<vmem>>, vector<16xi32>,
    tpu.vector_store %arg12[%swap3A_135], %add3A_134 {strides = array<i32>} : memref<64xi32, #tpu.memory_space<vmem>>, vector<16xi32>,
    %swap3A_137 = arith.constant 48 : index
    %swap3A_138 = tpu.vector_load %arg11[%swap3A_137] {strides = array<i32>} : memref<64xf32, #tpu.memory_space<vmem>>, vector<16xf32>,
    tpu.vector_store %arg11[%swap3A_137], %broadcast_in_dim3A_31 {strides = array<i32>} : memref<64xf32, #tpu.memory_space<vmem>>, vector<16xf32>,
    %add3A_139 = arith.constant 48 : i32
    %add3A_140 = vector.broadcast %add3A_139 : i32 to vector<16xi32>
    %add3A_141 = arith.addi %add3A_140, %iota3A : vector<16xi32>
    %swap3A_142 = arith.constant 48 : index
    %swap3A_143 = tpu.vector_load %arg12[%swap3A_142] {strides = array<i32>} : memref<64xi32, #tpu.memory_space<vmem>>, vector<16xi32>,
    tpu.vector_store %arg12[%swap3A_142], %add3A_141 {strides = array<i32>} : memref<64xi32, #tpu.memory_space<vmem>>, vector<16xi32>,
    %scan3A_144 = arith.constant 0 : i32
    %scan3A_145 = arith.constant 0 : i32
    %scan3A_146 = arith.constant 50 : i32
    %scan3A_147 = arith.addi %scan3A_145, %scan3A_146 : i32
    %scan3A_148 = arith.constant 1 : i32
    scf.for %scan3A_159 = %scan3A_145 to %scan3A_147 step %scan3A_148  : i32 {
      %while3A = arith.constant 0 : i32
      %while3A_160 = arith.subi %select_n3A_115, %while3A : i32
      %while3A_161 = arith.addi %while3A, %while3A_160 : i32
      %while3A_162 = arith.constant 1 : i32
      %while3A_163 = arith.divsi %while3A_160, %while3A_162 : i32
      %while3A_164 = arith.muli %while3A_163, %while3A_162 : i32
      %while3A_165 = arith.addi %while3A, %while3A_164 : i32
      %while3A_166 = arith.constant 1 : i32
      %while3A_167 = scf.for %while3A_189 = %while3A to %while3A_165 step %while3A_166 iter_args(%while3A_190 = %broadcast_in_dim3A_31) -> (vector<16xf32>)  : i32 {
        %mul3A_191 = arith.constant 16 : i32
        %mul3A_192 = arith.muli %while3A_189, %mul3A_191 : i32
        %get3A_193 = arith.index_cast %mul3A_192 : i32 to index
        %get3A_194 = tpu.vector_load %arg9[%get3A_193] {strides = array<i32>} : memref<12816xf32, #tpu.memory_space<vmem>>, vector<16xf32>,
        %min3A_195 = arith.minimumf %while3A_190, %get3A_194 : vector<16xf32>
        scf.yield %min3A_195 : vector<16xf32>
      }
      %while3A_168 = arith.constant 1 : i32
      %while3A_169 = scf.for %while3A_189 = %while3A_165 to %while3A_161 step %while3A_168 iter_args(%while3A_190 = %while3A_167) -> (vector<16xf32>)  : i32 {
        %mul3A_191 = arith.constant 16 : i32
        %mul3A_192 = arith.muli %while3A_189, %mul3A_191 : i32
        %get3A_193 = arith.index_cast %mul3A_192 : i32 to index
        %get3A_194 = tpu.vector_load %arg9[%get3A_193] {strides = array<i32>} : memref<12816xf32, #tpu.memory_space<vmem>>, vector<16xf32>,
        %min3A_195 = arith.minimumf %while3A_190, %get3A_194 : vector<16xf32>
        scf.yield %min3A_195 : vector<16xf32>
      }
      %reduce_min3A_170 = arith.constant true
      %reduce_min3A_171 = vector.broadcast %reduce_min3A_170 : i1 to vector<16xi1>
      %reduce_min3A_172 = tpu.scan <min>, %while3A_169 masked %reduce_min3A_171 : vector<16xf32>, vector<16xi1> -> vector<16xf32>
      %reduce_min3A_173 = vector.extract %reduce_min3A_172[15] : f32 from vector<16xf32>
      %broadcast_in_dim3A_174 = vector.broadcast %reduce_min3A_173 : f32 to vector<16xf32>
      %while3A_175 = arith.constant 0 : i32
      %while3A_176 = arith.constant 1073741824 : i32
      %while3A_177 = arith.subi %select_n3A_115, %while3A_175 : i32
      %while3A_178 = arith.addi %while3A_175, %while3A_177 : i32
      %while3A_179 = arith.constant 1 : i32
      %while3A_180 = arith.divsi %while3A_177, %while3A_179 : i32
      %while3A_181 = arith.muli %while3A_180, %while3A_179 : i32
      %while3A_182 = arith.addi %while3A_175, %while3A_181 : i32
      %while3A_183 = arith.constant 1 : i32
      %while3A_184 = scf.for %while3A_189 = %while3A_175 to %while3A_182 step %while3A_183 iter_args(%while3A_190 = %while3A_176) -> (i32)  : i32 {
        %mul3A_191 = arith.constant 16 : i32
        %mul3A_192 = arith.muli %while3A_189, %mul3A_191 : i32
        %get3A_193 = arith.index_cast %mul3A_192 : i32 to index
        %get3A_194 = tpu.vector_load %arg9[%get3A_193] {strides = array<i32>} : memref<12816xf32, #tpu.memory_space<vmem>>, vector<16xf32>,
        %eq3A_195 = arith.cmpf oeq, %get3A_194, %broadcast_in_dim3A_174 : vector<16xf32>
        %all_reduce_population_count3A = tpu.all_reduce %eq3A_195 {dim = 0 : i64, kind = #tpu.reduction_kind<sum>} : vector<16xi1> -> vector<16xi32>
        %reduce_max3A_196 = arith.constant true
        %reduce_max3A_197 = vector.broadcast %reduce_max3A_196 : i1 to vector<16xi1>
        %reduce_max3A_198 = arith.constant -2147483648 : i32
        %reduce_max3A_199 = vector.broadcast %reduce_max3A_198 : i32 to vector<16xi32>
        %reduce_max3A_200 = arith.xori %all_reduce_population_count3A, %reduce_max3A_199 : vector<16xi32>
        %reduce_max3A_201 = tpu.scan <max>, %reduce_max3A_200 masked %reduce_max3A_197 : vector<16xi32>, vector<16xi1> -> vector<16xi32>
        %reduce_max3A_202 = arith.xori %reduce_max3A_201, %reduce_max3A_199 : vector<16xi32>
        %reduce_max3A_203 = vector.extract %reduce_max3A_202[15] : i32 from vector<16xi32>
        %all_reduce_ffs3A = tpu.all_reduce %eq3A_195 {dim = 0 : i64, kind = #tpu.reduction_kind<find_first_set>} : vector<16xi1> -> vector<16xi32>
        %reduce_max3A_204 = arith.constant true
        %reduce_max3A_205 = vector.broadcast %reduce_max3A_204 : i1 to vector<16xi1>
        %reduce_max3A_206 = arith.constant -2147483648 : i32
        %reduce_max3A_207 = vector.broadcast %reduce_max3A_206 : i32 to vector<16xi32>
        %reduce_max3A_208 = arith.xori %all_reduce_ffs3A, %reduce_max3A_207 : vector<16xi32>
        %reduce_max3A_209 = tpu.scan <max>, %reduce_max3A_208 masked %reduce_max3A_205 : vector<16xi32>, vector<16xi1> -> vector<16xi32>
        %reduce_max3A_210 = arith.xori %reduce_max3A_209, %reduce_max3A_207 : vector<16xi32>
        %reduce_max3A_211 = vector.extract %reduce_max3A_210[15] : i32 from vector<16xi32>
        %gt3A = arith.constant 0 : i32
        %gt3A_212 = arith.cmpi sgt, %reduce_max3A_203, %gt3A : i32
        %mul3A_213 = arith.constant 16 : i32
        %mul3A_214 = arith.muli %while3A_189, %mul3A_213 : i32
        %add3A_215 = arith.addi %mul3A_214, %reduce_max3A_211 : i32
        %jit3A_216 = arith.constant 1073741824 : i32
        %select_n3A_217 = arith.select %gt3A_212, %add3A_215, %jit3A_216 : i32
        %min3A_218 = arith.minsi %while3A_190, %select_n3A_217 : i32
        scf.yield %min3A_218 : i32
      }
      %while3A_185 = arith.constant 1 : i32
      %while3A_186 = scf.for %while3A_189 = %while3A_182 to %while3A_178 step %while3A_185 iter_args(%while3A_190 = %while3A_184) -> (i32)  : i32 {
        %mul3A_191 = arith.constant 16 : i32
        %mul3A_192 = arith.muli %while3A_189, %mul3A_191 : i32
        %get3A_193 = arith.index_cast %mul3A_192 : i32 to index
        %get3A_194 = tpu.vector_load %arg9[%get3A_193] {strides = array<i32>} : memref<12816xf32, #tpu.memory_space<vmem>>, vector<16xf32>,
        %eq3A_195 = arith.cmpf oeq, %get3A_194, %broadcast_in_dim3A_174 : vector<16xf32>
        %all_reduce_population_count3A = tpu.all_reduce %eq3A_195 {dim = 0 : i64, kind = #tpu.reduction_kind<sum>} : vector<16xi1> -> vector<16xi32>
        %reduce_max3A_196 = arith.constant true
        %reduce_max3A_197 = vector.broadcast %reduce_max3A_196 : i1 to vector<16xi1>
        %reduce_max3A_198 = arith.constant -2147483648 : i32
        %reduce_max3A_199 = vector.broadcast %reduce_max3A_198 : i32 to vector<16xi32>
        %reduce_max3A_200 = arith.xori %all_reduce_population_count3A, %reduce_max3A_199 : vector<16xi32>
        %reduce_max3A_201 = tpu.scan <max>, %reduce_max3A_200 masked %reduce_max3A_197 : vector<16xi32>, vector<16xi1> -> vector<16xi32>
        %reduce_max3A_202 = arith.xori %reduce_max3A_201, %reduce_max3A_199 : vector<16xi32>
        %reduce_max3A_203 = vector.extract %reduce_max3A_202[15] : i32 from vector<16xi32>
        %all_reduce_ffs3A = tpu.all_reduce %eq3A_195 {dim = 0 : i64, kind = #tpu.reduction_kind<find_first_set>} : vector<16xi1> -> vector<16xi32>
        %reduce_max3A_204 = arith.constant true
        %reduce_max3A_205 = vector.broadcast %reduce_max3A_204 : i1 to vector<16xi1>
        %reduce_max3A_206 = arith.constant -2147483648 : i32
        %reduce_max3A_207 = vector.broadcast %reduce_max3A_206 : i32 to vector<16xi32>
        %reduce_max3A_208 = arith.xori %all_reduce_ffs3A, %reduce_max3A_207 : vector<16xi32>
        %reduce_max3A_209 = tpu.scan <max>, %reduce_max3A_208 masked %reduce_max3A_205 : vector<16xi32>, vector<16xi1> -> vector<16xi32>
        %reduce_max3A_210 = arith.xori %reduce_max3A_209, %reduce_max3A_207 : vector<16xi32>
        %reduce_max3A_211 = vector.extract %reduce_max3A_210[15] : i32 from vector<16xi32>
        %gt3A = arith.constant 0 : i32
        %gt3A_212 = arith.cmpi sgt, %reduce_max3A_203, %gt3A : i32
        %mul3A_213 = arith.constant 16 : i32
        %mul3A_214 = arith.muli %while3A_189, %mul3A_213 : i32
        %add3A_215 = arith.addi %mul3A_214, %reduce_max3A_211 : i32
        %jit3A_216 = arith.constant 1073741824 : i32
        %select_n3A_217 = arith.select %gt3A_212, %add3A_215, %jit3A_216 : i32
        %min3A_218 = arith.minsi %while3A_190, %select_n3A_217 : i32
        scf.yield %min3A_218 : i32
      }
      %broadcast_in_dim3A_187 = vector.broadcast %while3A_186 : i32 to vector<16xi32>
      %gather3A = tpu.vector_load_idx %arg10[%broadcast_in_dim3A_187] : memref<12816xi32, #tpu.memory_space<vmem>>[vector<16xi32>], vector<16xi32>,
      tpu.vector_store_idx %arg9[%broadcast_in_dim3A_187], %broadcast_in_dim3A_31 masked %eq3A_36 : memref<12816xf32, #tpu.memory_space<vmem>>[vector<16xi32>], vector<16xf32>, vector<16xi1>
      %broadcast_in_dim3A_188 = vector.broadcast %scan3A_159 : i32 to vector<16xi32>
      tpu.vector_store_idx %arg11[%broadcast_in_dim3A_188], %broadcast_in_dim3A_174 masked %eq3A_36 : memref<64xf32, #tpu.memory_space<vmem>>[vector<16xi32>], vector<16xf32>, vector<16xi1>
      tpu.vector_store_idx %arg12[%broadcast_in_dim3A_188], %gather3A masked %eq3A_36 : memref<64xi32, #tpu.memory_space<vmem>>[vector<16xi32>], vector<16xi32>, vector<16xi1>
    }
    %scan3A_149 = arith.constant 50 : i32
    %mul3A_150 = arith.constant 64 : i32
    %mul3A_151 = arith.muli %select_n3A_28, %mul3A_150 : i32
    "tpu.region"() ({
      %run_scoped3A = tpu.sem_alloc : memref<!tpu.dma_semaphore, #tpu.memory_space<semaphore_mem>>
      %dma_start3A = tpu.memref_slice %arg21[%select_n3A, %mul3A_151] : memref<2x512xf32, #tpu.memory_space<vmem_shared>> -> memref<1x64xf32, #tpu.memory_space<vmem_shared>>
      %dma_start3A_159 = tpu.memref_squeeze %dma_start3A : memref<1x64xf32, #tpu.memory_space<vmem_shared>> -> memref<64xf32, #tpu.memory_space<vmem_shared>>
      %dma_start3A_160 = tpu.memref_slice %arg21[%select_n3A, %mul3A_151] : memref<2x512xf32, #tpu.memory_space<vmem_shared>> -> memref<1x64xf32, #tpu.memory_space<vmem_shared>>
      %dma_start3A_161 = tpu.memref_squeeze %dma_start3A_160 : memref<1x64xf32, #tpu.memory_space<vmem_shared>> -> memref<64xf32, #tpu.memory_space<vmem_shared>>
      tpu.enqueue_dma source(%arg11 : memref<64xf32, #tpu.memory_space<vmem>>) target(%dma_start3A_161 : memref<64xf32, #tpu.memory_space<vmem_shared>>) target_semaphore(%run_scoped3A : memref<!tpu.dma_semaphore, #tpu.memory_space<semaphore_mem>>)
      %dma_wait3A = tpu.memref_slice %arg21[%select_n3A, %mul3A_151] : memref<2x512xf32, #tpu.memory_space<vmem_shared>> -> memref<1x64xf32, #tpu.memory_space<vmem_shared>>
      %dma_wait3A_162 = tpu.memref_squeeze %dma_wait3A : memref<1x64xf32, #tpu.memory_space<vmem_shared>> -> memref<64xf32, #tpu.memory_space<vmem_shared>>
      %dma_wait3A_163 = tpu.memref_slice %arg21[%select_n3A, %mul3A_151] : memref<2x512xf32, #tpu.memory_space<vmem_shared>> -> memref<1x64xf32, #tpu.memory_space<vmem_shared>>
      %dma_wait3A_164 = tpu.memref_squeeze %dma_wait3A_163 : memref<1x64xf32, #tpu.memory_space<vmem_shared>> -> memref<64xf32, #tpu.memory_space<vmem_shared>>
      tpu.wait_dma2 semaphore(%run_scoped3A : memref<!tpu.dma_semaphore, #tpu.memory_space<semaphore_mem>>) src(%arg11 : memref<64xf32, #tpu.memory_space<vmem>>) dst(%dma_wait3A_164 : memref<64xf32, #tpu.memory_space<vmem_shared>>)
      tpu.yield
    }) : () -> ()
    %mul3A_152 = arith.constant 64 : i32
    %mul3A_153 = arith.muli %select_n3A_28, %mul3A_152 : i32
    "tpu.region"() ({
      %run_scoped3A = tpu.sem_alloc : memref<!tpu.dma_semaphore, #tpu.memory_space<semaphore_mem>>
      %dma_start3A = tpu.memref_slice %arg22[%select_n3A, %mul3A_153] : memref<2x512xi32, #tpu.memory_space<vmem_shared>> -> memref<1x64xi32, #tpu.memory_space<vmem_shared>>
      %dma_start3A_159 = tpu.memref_squeeze %dma_start3A : memref<1x64xi32, #tpu.memory_space<vmem_shared>> -> memref<64xi32, #tpu.memory_space<vmem_shared>>
      %dma_start3A_160 = tpu.memref_slice %arg22[%select_n3A, %mul3A_153] : memref<2x512xi32, #tpu.memory_space<vmem_shared>> -> memref<1x64xi32, #tpu.memory_space<vmem_shared>>
      %dma_start3A_161 = tpu.memref_squeeze %dma_start3A_160 : memref<1x64xi32, #tpu.memory_space<vmem_shared>> -> memref<64xi32, #tpu.memory_space<vmem_shared>>
      tpu.enqueue_dma source(%arg12 : memref<64xi32, #tpu.memory_space<vmem>>) target(%dma_start3A_161 : memref<64xi32, #tpu.memory_space<vmem_shared>>) target_semaphore(%run_scoped3A : memref<!tpu.dma_semaphore, #tpu.memory_space<semaphore_mem>>)
      %dma_wait3A = tpu.memref_slice %arg22[%select_n3A, %mul3A_153] : memref<2x512xi32, #tpu.memory_space<vmem_shared>> -> memref<1x64xi32, #tpu.memory_space<vmem_shared>>
      %dma_wait3A_162 = tpu.memref_squeeze %dma_wait3A : memref<1x64xi32, #tpu.memory_space<vmem_shared>> -> memref<64xi32, #tpu.memory_space<vmem_shared>>
      %dma_wait3A_163 = tpu.memref_slice %arg22[%select_n3A, %mul3A_153] : memref<2x512xi32, #tpu.memory_space<vmem_shared>> -> memref<1x64xi32, #tpu.memory_space<vmem_shared>>
      %dma_wait3A_164 = tpu.memref_squeeze %dma_wait3A_163 : memref<1x64xi32, #tpu.memory_space<vmem_shared>> -> memref<64xi32, #tpu.memory_space<vmem_shared>>
      tpu.wait_dma2 semaphore(%run_scoped3A : memref<!tpu.dma_semaphore, #tpu.memory_space<semaphore_mem>>) src(%arg12 : memref<64xi32, #tpu.memory_space<vmem>>) dst(%dma_wait3A_164 : memref<64xi32, #tpu.memory_space<vmem_shared>>)
      tpu.yield
    }) : () -> ()
    %barrier3A_154 = arith.constant 0 : index
    tpu.barrier barrier_id(%barrier3A_154)
    %eq3A_155 = arith.constant 0 : i32
    %eq3A_156 = arith.cmpi eq, %select_n3A_28, %eq3A_155 : i32
    %convert_element_type3A = arith.extui %eq3A_156 : i1 to i32
    %cond3A = arith.constant 0x7F800000 : f32
    %cond3A_157 = arith.constant 0 : i32
    %cond3A_158 = arith.cmpi ne, %convert_element_type3A, %cond3A_157 : i32
    scf.if %cond3A_158 {
      "tpu.region"() ({
        %run_scoped3A = tpu.sem_alloc : memref<!tpu.dma_semaphore, #tpu.memory_space<semaphore_mem>>
        %dma_start3A_384 = arith.constant 0 : i32
        %dma_start3A_385 = tpu.memref_slice %arg21[%select_n3A, %dma_start3A_384] : memref<2x512xf32, #tpu.memory_space<vmem_shared>> -> memref<1x512xf32, #tpu.memory_space<vmem_shared>>
        %dma_start3A_386 = tpu.memref_squeeze %dma_start3A_385 : memref<1x512xf32, #tpu.memory_space<vmem_shared>> -> memref<512xf32, #tpu.memory_space<vmem_shared>>
        %dma_start3A_387 = arith.constant 0 : i32
        %dma_start3A_388 = tpu.memref_slice %arg21[%select_n3A, %dma_start3A_387] : memref<2x512xf32, #tpu.memory_space<vmem_shared>> -> memref<1x512xf32, #tpu.memory_space<vmem_shared>>
        %dma_start3A_389 = tpu.memref_squeeze %dma_start3A_388 : memref<1x512xf32, #tpu.memory_space<vmem_shared>> -> memref<512xf32, #tpu.memory_space<vmem_shared>>
        tpu.enqueue_dma source(%dma_start3A_389 : memref<512xf32, #tpu.memory_space<vmem_shared>>) target(%arg13 : memref<512xf32, #tpu.memory_space<vmem>>) target_semaphore(%run_scoped3A : memref<!tpu.dma_semaphore, #tpu.memory_space<semaphore_mem>>)
        %dma_wait3A_390 = arith.constant 0 : i32
        %dma_wait3A_391 = tpu.memref_slice %arg21[%select_n3A, %dma_wait3A_390] : memref<2x512xf32, #tpu.memory_space<vmem_shared>> -> memref<1x512xf32, #tpu.memory_space<vmem_shared>>
        %dma_wait3A_392 = tpu.memref_squeeze %dma_wait3A_391 : memref<1x512xf32, #tpu.memory_space<vmem_shared>> -> memref<512xf32, #tpu.memory_space<vmem_shared>>
        %dma_wait3A_393 = arith.constant 0 : i32
        %dma_wait3A_394 = tpu.memref_slice %arg21[%select_n3A, %dma_wait3A_393] : memref<2x512xf32, #tpu.memory_space<vmem_shared>> -> memref<1x512xf32, #tpu.memory_space<vmem_shared>>
        %dma_wait3A_395 = tpu.memref_squeeze %dma_wait3A_394 : memref<1x512xf32, #tpu.memory_space<vmem_shared>> -> memref<512xf32, #tpu.memory_space<vmem_shared>>
        tpu.wait_dma2 semaphore(%run_scoped3A : memref<!tpu.dma_semaphore, #tpu.memory_space<semaphore_mem>>) src(%dma_wait3A_395 : memref<512xf32, #tpu.memory_space<vmem_shared>>) dst(%arg13 : memref<512xf32, #tpu.memory_space<vmem>>)
        tpu.yield
      }) : () -> ()
      "tpu.region"() ({
        %run_scoped3A = tpu.sem_alloc : memref<!tpu.dma_semaphore, #tpu.memory_space<semaphore_mem>>
        %dma_start3A_384 = arith.constant 0 : i32
        %dma_start3A_385 = tpu.memref_slice %arg22[%select_n3A, %dma_start3A_384] : memref<2x512xi32, #tpu.memory_space<vmem_shared>> -> memref<1x512xi32, #tpu.memory_space<vmem_shared>>
        %dma_start3A_386 = tpu.memref_squeeze %dma_start3A_385 : memref<1x512xi32, #tpu.memory_space<vmem_shared>> -> memref<512xi32, #tpu.memory_space<vmem_shared>>
        %dma_start3A_387 = arith.constant 0 : i32
        %dma_start3A_388 = tpu.memref_slice %arg22[%select_n3A, %dma_start3A_387] : memref<2x512xi32, #tpu.memory_space<vmem_shared>> -> memref<1x512xi32, #tpu.memory_space<vmem_shared>>
        %dma_start3A_389 = tpu.memref_squeeze %dma_start3A_388 : memref<1x512xi32, #tpu.memory_space<vmem_shared>> -> memref<512xi32, #tpu.memory_space<vmem_shared>>
        tpu.enqueue_dma source(%dma_start3A_389 : memref<512xi32, #tpu.memory_space<vmem_shared>>) target(%arg14 : memref<512xi32, #tpu.memory_space<vmem>>) target_semaphore(%run_scoped3A : memref<!tpu.dma_semaphore, #tpu.memory_space<semaphore_mem>>)
        %dma_wait3A_390 = arith.constant 0 : i32
        %dma_wait3A_391 = tpu.memref_slice %arg22[%select_n3A, %dma_wait3A_390] : memref<2x512xi32, #tpu.memory_space<vmem_shared>> -> memref<1x512xi32, #tpu.memory_space<vmem_shared>>
        %dma_wait3A_392 = tpu.memref_squeeze %dma_wait3A_391 : memref<1x512xi32, #tpu.memory_space<vmem_shared>> -> memref<512xi32, #tpu.memory_space<vmem_shared>>
        %dma_wait3A_393 = arith.constant 0 : i32
        %dma_wait3A_394 = tpu.memref_slice %arg22[%select_n3A, %dma_wait3A_393] : memref<2x512xi32, #tpu.memory_space<vmem_shared>> -> memref<1x512xi32, #tpu.memory_space<vmem_shared>>
        %dma_wait3A_395 = tpu.memref_squeeze %dma_wait3A_394 : memref<1x512xi32, #tpu.memory_space<vmem_shared>> -> memref<512xi32, #tpu.memory_space<vmem_shared>>
        tpu.wait_dma2 semaphore(%run_scoped3A : memref<!tpu.dma_semaphore, #tpu.memory_space<semaphore_mem>>) src(%dma_wait3A_395 : memref<512xi32, #tpu.memory_space<vmem_shared>>) dst(%arg14 : memref<512xi32, #tpu.memory_space<vmem>>)
        tpu.yield
      }) : () -> ()
      %lt3A_159 = arith.constant 8 : i32
      %lt3A_160 = vector.broadcast %lt3A_159 : i32 to vector<16xi32>
      %lt3A_161 = arith.cmpi slt, %iota3A, %lt3A_160 : vector<16xi32>
      %mul3A_162 = arith.constant 64 : i32
      %mul3A_163 = vector.broadcast %mul3A_162 : i32 to vector<16xi32>
      %mul3A_164 = arith.muli %iota3A, %mul3A_163 : vector<16xi32>
      %jit3A_165 = arith.constant 0 : i32
      %broadcast_in_dim3A_166 = vector.broadcast %jit3A_165 : i32 to vector<16xi32>
      %select_n3A_167 = arith.select %lt3A_161, %mul3A_164, %broadcast_in_dim3A_166 : vector<16xi1>, vector<16xi32>
      %broadcast_in_dim3A_168 = arith.constant 0 : i32
      %broadcast_in_dim3A_169 = vector.broadcast %broadcast_in_dim3A_168 : i32 to vector<16xi32>
      %scan3A_170 = arith.constant 0 : i32
      %scan3A_171 = arith.constant 50 : i32
      %scan3A_172 = arith.addi %scan3A_170, %scan3A_171 : i32
      %scan3A_173 = arith.constant 1 : i32
      %scan3A_174 = scf.for %scan3A_384 = %scan3A_170 to %scan3A_172 step %scan3A_173 iter_args(%scan3A_385 = %broadcast_in_dim3A_169) -> (vector<16xi32>)  : i32 {
        %add3A_386 = arith.addi %select_n3A_167, %scan3A_385 : vector<16xi32>
        %gather3A = tpu.vector_load_idx %arg13[%add3A_386] : memref<512xf32, #tpu.memory_space<vmem>>[vector<16xi32>], vector<16xf32>,
        %broadcast_in_dim3A_387 = vector.broadcast %cond3A : f32 to vector<16xf32>
        %select_n3A_388 = arith.select %lt3A_161, %gather3A, %broadcast_in_dim3A_387 : vector<16xi1>, vector<16xf32>
        %gather3A_389 = tpu.vector_load_idx %arg14[%add3A_386] : memref<512xi32, #tpu.memory_space<vmem>>[vector<16xi32>], vector<16xi32>,
        %reduce_min3A_390 = arith.constant true
        %reduce_min3A_391 = vector.broadcast %reduce_min3A_390 : i1 to vector<16xi1>
        %reduce_min3A_392 = tpu.scan <min>, %select_n3A_388 masked %reduce_min3A_391 : vector<16xf32>, vector<16xi1> -> vector<16xf32>
        %reduce_min3A_393 = vector.extract %reduce_min3A_392[15] : f32 from vector<16xf32>
        %broadcast_in_dim3A_394 = vector.broadcast %reduce_min3A_393 : f32 to vector<16xf32>
        %eq3A_395 = arith.cmpf oeq, %select_n3A_388, %broadcast_in_dim3A_394 : vector<16xf32>
        %and3A_396 = arith.andi %eq3A_395, %lt3A_161 : vector<16xi1>
        %all_reduce_ffs3A = tpu.all_reduce %and3A_396 {dim = 0 : i64, kind = #tpu.reduction_kind<find_first_set>} : vector<16xi1> -> vector<16xi32>
        %reduce_max3A_397 = arith.constant true
        %reduce_max3A_398 = vector.broadcast %reduce_max3A_397 : i1 to vector<16xi1>
        %reduce_max3A_399 = arith.constant -2147483648 : i32
        %reduce_max3A_400 = vector.broadcast %reduce_max3A_399 : i32 to vector<16xi32>
        %reduce_max3A_401 = arith.xori %all_reduce_ffs3A, %reduce_max3A_400 : vector<16xi32>
        %reduce_max3A_402 = tpu.scan <max>, %reduce_max3A_401 masked %reduce_max3A_398 : vector<16xi32>, vector<16xi1> -> vector<16xi32>
        %reduce_max3A_403 = arith.xori %reduce_max3A_402, %reduce_max3A_400 : vector<16xi32>
        %reduce_max3A_404 = vector.extract %reduce_max3A_403[15] : i32 from vector<16xi32>
        %eq3A_405 = vector.broadcast %reduce_max3A_404 : i32 to vector<16xi32>
        %eq3A_406 = arith.cmpi eq, %iota3A, %eq3A_405 : vector<16xi32>
        %broadcast_in_dim3A_407 = vector.broadcast %scan3A_384 : i32 to vector<16xi32>
        tpu.vector_store_idx %arg11[%broadcast_in_dim3A_407], %select_n3A_388 masked %eq3A_406 : memref<64xf32, #tpu.memory_space<vmem>>[vector<16xi32>], vector<16xf32>, vector<16xi1>
        tpu.vector_store_idx %arg12[%broadcast_in_dim3A_407], %gather3A_389 masked %eq3A_406 : memref<64xi32, #tpu.memory_space<vmem>>[vector<16xi32>], vector<16xi32>, vector<16xi1>
        %add3A_408 = arith.constant 1 : i32
        %add3A_409 = vector.broadcast %add3A_408 : i32 to vector<16xi32>
        %add3A_410 = arith.addi %scan3A_385, %add3A_409 : vector<16xi32>
        %select_n3A_411 = arith.select %eq3A_406, %add3A_410, %scan3A_385 : vector<16xi1>, vector<16xi32>
        scf.yield %select_n3A_411 : vector<16xi32>
      }
      %scan3A_175 = arith.constant 50 : i32
      "tpu.region"() ({
        %run_scoped3A = tpu.sem_alloc : memref<!tpu.dma_semaphore, #tpu.memory_space<semaphore_mem>>
        tpu.enqueue_dma source(%arg5 : memref<16xf32, #tpu.memory_space<hbm>>) target(%arg20 : memref<16xf32, #tpu.memory_space<vmem>>) target_semaphore(%run_scoped3A : memref<!tpu.dma_semaphore, #tpu.memory_space<semaphore_mem>>)
        tpu.wait_dma2 semaphore(%run_scoped3A : memref<!tpu.dma_semaphore, #tpu.memory_space<semaphore_mem>>) src(%arg5 : memref<16xf32, #tpu.memory_space<hbm>>) dst(%arg20 : memref<16xf32, #tpu.memory_space<vmem>>)
        tpu.yield
      }) : () -> ()
      %get3A_176 = arith.constant 0 : index
      %get3A_177 = tpu.vector_load %arg20[%get3A_176] {strides = array<i32>} : memref<16xf32, #tpu.memory_space<vmem>>, vector<16xf32>,
      %add3A_178 = arith.constant 0 : i32
      %add3A_179 = vector.broadcast %add3A_178 : i32 to vector<16xi32>
      %add3A_180 = arith.addi %add3A_179, %iota3A : vector<16xi32>
      %get3A_181 = arith.constant 0 : index
      %get3A_182 = tpu.vector_load %arg11[%get3A_181] {strides = array<i32>} : memref<64xf32, #tpu.memory_space<vmem>>, vector<16xf32>,
      %lt3A_183 = arith.constant 50 : i32
      %lt3A_184 = vector.broadcast %lt3A_183 : i32 to vector<16xi32>
      %lt3A_185 = arith.cmpi slt, %add3A_180, %lt3A_184 : vector<16xi32>
      %neg3A = arith.constant 0.000000e+00 : f32
      %neg3A_186 = vector.broadcast %neg3A : f32 to vector<16xf32>
      %neg3A_187 = arith.subf %neg3A_186, %get3A_177 : vector<16xf32>
      %mul3A_188 = arith.mulf %neg3A_187, %get3A_182 : vector<16xf32>
      %exp3A = math.exp %mul3A_188 : vector<16xf32>
      %neg3A_189 = arith.constant 0.000000e+00 : f32
      %neg3A_190 = arith.subf %neg3A_189, %cond3A : f32
      %broadcast_in_dim3A_191 = vector.broadcast %neg3A_190 : f32 to vector<16xf32>
      %select_n3A_192 = arith.select %lt3A_185, %exp3A, %broadcast_in_dim3A_191 : vector<16xi1>, vector<16xf32>
      %add3A_193 = arith.constant 16 : i32
      %add3A_194 = vector.broadcast %add3A_193 : i32 to vector<16xi32>
      %add3A_195 = arith.addi %add3A_194, %iota3A : vector<16xi32>
      %get3A_196 = arith.constant 16 : index
      %get3A_197 = tpu.vector_load %arg11[%get3A_196] {strides = array<i32>} : memref<64xf32, #tpu.memory_space<vmem>>, vector<16xf32>,
      %lt3A_198 = arith.constant 50 : i32
      %lt3A_199 = vector.broadcast %lt3A_198 : i32 to vector<16xi32>
      %lt3A_200 = arith.cmpi slt, %add3A_195, %lt3A_199 : vector<16xi32>
      %neg3A_201 = arith.constant 0.000000e+00 : f32
      %neg3A_202 = vector.broadcast %neg3A_201 : f32 to vector<16xf32>
      %neg3A_203 = arith.subf %neg3A_202, %get3A_177 : vector<16xf32>
      %mul3A_204 = arith.mulf %neg3A_203, %get3A_197 : vector<16xf32>
      %exp3A_205 = math.exp %mul3A_204 : vector<16xf32>
      %neg3A_206 = arith.constant 0.000000e+00 : f32
      %neg3A_207 = arith.subf %neg3A_206, %cond3A : f32
      %broadcast_in_dim3A_208 = vector.broadcast %neg3A_207 : f32 to vector<16xf32>
      %select_n3A_209 = arith.select %lt3A_200, %exp3A_205, %broadcast_in_dim3A_208 : vector<16xi1>, vector<16xf32>
      %add3A_210 = arith.constant 32 : i32
      %add3A_211 = vector.broadcast %add3A_210 : i32 to vector<16xi32>
      %add3A_212 = arith.addi %add3A_211, %iota3A : vector<16xi32>
      %get3A_213 = arith.constant 32 : index
      %get3A_214 = tpu.vector_load %arg11[%get3A_213] {strides = array<i32>} : memref<64xf32, #tpu.memory_space<vmem>>, vector<16xf32>,
      %lt3A_215 = arith.constant 50 : i32
      %lt3A_216 = vector.broadcast %lt3A_215 : i32 to vector<16xi32>
      %lt3A_217 = arith.cmpi slt, %add3A_212, %lt3A_216 : vector<16xi32>
      %neg3A_218 = arith.constant 0.000000e+00 : f32
      %neg3A_219 = vector.broadcast %neg3A_218 : f32 to vector<16xf32>
      %neg3A_220 = arith.subf %neg3A_219, %get3A_177 : vector<16xf32>
      %mul3A_221 = arith.mulf %neg3A_220, %get3A_214 : vector<16xf32>
      %exp3A_222 = math.exp %mul3A_221 : vector<16xf32>
      %neg3A_223 = arith.constant 0.000000e+00 : f32
      %neg3A_224 = arith.subf %neg3A_223, %cond3A : f32
      %broadcast_in_dim3A_225 = vector.broadcast %neg3A_224 : f32 to vector<16xf32>
      %select_n3A_226 = arith.select %lt3A_217, %exp3A_222, %broadcast_in_dim3A_225 : vector<16xi1>, vector<16xf32>
      %add3A_227 = arith.constant 48 : i32
      %add3A_228 = vector.broadcast %add3A_227 : i32 to vector<16xi32>
      %add3A_229 = arith.addi %add3A_228, %iota3A : vector<16xi32>
      %get3A_230 = arith.constant 48 : index
      %get3A_231 = tpu.vector_load %arg11[%get3A_230] {strides = array<i32>} : memref<64xf32, #tpu.memory_space<vmem>>, vector<16xf32>,
      %lt3A_232 = arith.constant 50 : i32
      %lt3A_233 = vector.broadcast %lt3A_232 : i32 to vector<16xi32>
      %lt3A_234 = arith.cmpi slt, %add3A_229, %lt3A_233 : vector<16xi32>
      %neg3A_235 = arith.constant 0.000000e+00 : f32
      %neg3A_236 = vector.broadcast %neg3A_235 : f32 to vector<16xf32>
      %neg3A_237 = arith.subf %neg3A_236, %get3A_177 : vector<16xf32>
      %mul3A_238 = arith.mulf %neg3A_237, %get3A_231 : vector<16xf32>
      %exp3A_239 = math.exp %mul3A_238 : vector<16xf32>
      %neg3A_240 = arith.constant 0.000000e+00 : f32
      %neg3A_241 = arith.subf %neg3A_240, %cond3A : f32
      %broadcast_in_dim3A_242 = vector.broadcast %neg3A_241 : f32 to vector<16xf32>
      %select_n3A_243 = arith.select %lt3A_234, %exp3A_239, %broadcast_in_dim3A_242 : vector<16xi1>, vector<16xf32>
      %max3A = arith.maximumf %select_n3A_192, %select_n3A_209 : vector<16xf32>
      %max3A_244 = arith.maximumf %select_n3A_226, %select_n3A_243 : vector<16xf32>
      %max3A_245 = arith.maximumf %max3A, %max3A_244 : vector<16xf32>
      %reduce_max3A_246 = arith.constant true
      %reduce_max3A_247 = vector.broadcast %reduce_max3A_246 : i1 to vector<16xi1>
      %reduce_max3A_248 = tpu.scan <max>, %max3A_245 masked %reduce_max3A_247 : vector<16xf32>, vector<16xi1> -> vector<16xf32>
      %reduce_max3A_249 = vector.extract %reduce_max3A_248[15] : f32 from vector<16xf32>
      %add3A_250 = arith.constant 0 : i32
      %add3A_251 = vector.broadcast %add3A_250 : i32 to vector<16xi32>
      %add3A_252 = arith.addi %add3A_251, %iota3A : vector<16xi32>
      %lt3A_253 = arith.constant 50 : i32
      %lt3A_254 = vector.broadcast %lt3A_253 : i32 to vector<16xi32>
      %lt3A_255 = arith.cmpi slt, %add3A_252, %lt3A_254 : vector<16xi32>
      %sub3A_256 = vector.broadcast %reduce_max3A_249 : f32 to vector<16xf32>
      %sub3A_257 = arith.subf %select_n3A_192, %sub3A_256 : vector<16xf32>
      %exp3A_258 = math.exp %sub3A_257 : vector<16xf32>
      %jit3A_259 = arith.constant 0.000000e+00 : f32
      %broadcast_in_dim3A_260 = vector.broadcast %jit3A_259 : f32 to vector<16xf32>
      %select_n3A_261 = arith.select %lt3A_255, %exp3A_258, %broadcast_in_dim3A_260 : vector<16xi1>, vector<16xf32>
      %reduce_sum3A = arith.constant true
      %reduce_sum3A_262 = vector.broadcast %reduce_sum3A : i1 to vector<16xi1>
      %reduce_sum3A_263 = tpu.scan <sum>, %select_n3A_261 masked %reduce_sum3A_262 : vector<16xf32>, vector<16xi1> -> vector<16xf32>
      %reduce_sum3A_264 = vector.extract %reduce_sum3A_263[15] : f32 from vector<16xf32>
      %add3A_265 = arith.constant 0.000000e+00 : f32
      %add3A_266 = arith.addf %add3A_265, %reduce_sum3A_264 : f32
      %add3A_267 = arith.constant 16 : i32
      %add3A_268 = vector.broadcast %add3A_267 : i32 to vector<16xi32>
      %add3A_269 = arith.addi %add3A_268, %iota3A : vector<16xi32>
      %lt3A_270 = arith.constant 50 : i32
      %lt3A_271 = vector.broadcast %lt3A_270 : i32 to vector<16xi32>
      %lt3A_272 = arith.cmpi slt, %add3A_269, %lt3A_271 : vector<16xi32>
      %sub3A_273 = vector.broadcast %reduce_max3A_249 : f32 to vector<16xf32>
      %sub3A_274 = arith.subf %select_n3A_209, %sub3A_273 : vector<16xf32>
      %exp3A_275 = math.exp %sub3A_274 : vector<16xf32>
      %jit3A_276 = arith.constant 0.000000e+00 : f32
      %broadcast_in_dim3A_277 = vector.broadcast %jit3A_276 : f32 to vector<16xf32>
      %select_n3A_278 = arith.select %lt3A_272, %exp3A_275, %broadcast_in_dim3A_277 : vector<16xi1>, vector<16xf32>
      %reduce_sum3A_279 = arith.constant true
      %reduce_sum3A_280 = vector.broadcast %reduce_sum3A_279 : i1 to vector<16xi1>
      %reduce_sum3A_281 = tpu.scan <sum>, %select_n3A_278 masked %reduce_sum3A_280 : vector<16xf32>, vector<16xi1> -> vector<16xf32>
      %reduce_sum3A_282 = vector.extract %reduce_sum3A_281[15] : f32 from vector<16xf32>
      %add3A_283 = arith.addf %add3A_266, %reduce_sum3A_282 : f32
      %add3A_284 = arith.constant 32 : i32
      %add3A_285 = vector.broadcast %add3A_284 : i32 to vector<16xi32>
      %add3A_286 = arith.addi %add3A_285, %iota3A : vector<16xi32>
      %lt3A_287 = arith.constant 50 : i32
      %lt3A_288 = vector.broadcast %lt3A_287 : i32 to vector<16xi32>
      %lt3A_289 = arith.cmpi slt, %add3A_286, %lt3A_288 : vector<16xi32>
      %sub3A_290 = vector.broadcast %reduce_max3A_249 : f32 to vector<16xf32>
      %sub3A_291 = arith.subf %select_n3A_226, %sub3A_290 : vector<16xf32>
      %exp3A_292 = math.exp %sub3A_291 : vector<16xf32>
      %jit3A_293 = arith.constant 0.000000e+00 : f32
      %broadcast_in_dim3A_294 = vector.broadcast %jit3A_293 : f32 to vector<16xf32>
      %select_n3A_295 = arith.select %lt3A_289, %exp3A_292, %broadcast_in_dim3A_294 : vector<16xi1>, vector<16xf32>
      %reduce_sum3A_296 = arith.constant true
      %reduce_sum3A_297 = vector.broadcast %reduce_sum3A_296 : i1 to vector<16xi1>
      %reduce_sum3A_298 = tpu.scan <sum>, %select_n3A_295 masked %reduce_sum3A_297 : vector<16xf32>, vector<16xi1> -> vector<16xf32>
      %reduce_sum3A_299 = vector.extract %reduce_sum3A_298[15] : f32 from vector<16xf32>
      %add3A_300 = arith.addf %add3A_283, %reduce_sum3A_299 : f32
      %add3A_301 = arith.constant 48 : i32
      %add3A_302 = vector.broadcast %add3A_301 : i32 to vector<16xi32>
      %add3A_303 = arith.addi %add3A_302, %iota3A : vector<16xi32>
      %lt3A_304 = arith.constant 50 : i32
      %lt3A_305 = vector.broadcast %lt3A_304 : i32 to vector<16xi32>
      %lt3A_306 = arith.cmpi slt, %add3A_303, %lt3A_305 : vector<16xi32>
      %sub3A_307 = vector.broadcast %reduce_max3A_249 : f32 to vector<16xf32>
      %sub3A_308 = arith.subf %select_n3A_243, %sub3A_307 : vector<16xf32>
      %exp3A_309 = math.exp %sub3A_308 : vector<16xf32>
      %jit3A_310 = arith.constant 0.000000e+00 : f32
      %broadcast_in_dim3A_311 = vector.broadcast %jit3A_310 : f32 to vector<16xf32>
      %select_n3A_312 = arith.select %lt3A_306, %exp3A_309, %broadcast_in_dim3A_311 : vector<16xi1>, vector<16xf32>
      %reduce_sum3A_313 = arith.constant true
      %reduce_sum3A_314 = vector.broadcast %reduce_sum3A_313 : i1 to vector<16xi1>
      %reduce_sum3A_315 = tpu.scan <sum>, %select_n3A_312 masked %reduce_sum3A_314 : vector<16xf32>, vector<16xi1> -> vector<16xf32>
      %reduce_sum3A_316 = vector.extract %reduce_sum3A_315[15] : f32 from vector<16xf32>
      %add3A_317 = arith.addf %add3A_300, %reduce_sum3A_316 : f32
      %div3A_318 = vector.broadcast %add3A_317 : f32 to vector<16xf32>
      %div3A_319 = arith.divf %select_n3A_261, %div3A_318 : vector<16xf32>
      %swap3A_320 = arith.constant 0 : index
      %swap3A_321 = tpu.vector_load %arg15[%swap3A_320] {strides = array<i32>} : memref<64xf32, #tpu.memory_space<vmem>>, vector<16xf32>,
      tpu.vector_store %arg15[%swap3A_320], %div3A_319 {strides = array<i32>} : memref<64xf32, #tpu.memory_space<vmem>>, vector<16xf32>,
      %div3A_322 = vector.broadcast %add3A_317 : f32 to vector<16xf32>
      %div3A_323 = arith.divf %select_n3A_278, %div3A_322 : vector<16xf32>
      %swap3A_324 = arith.constant 16 : index
      %swap3A_325 = tpu.vector_load %arg15[%swap3A_324] {strides = array<i32>} : memref<64xf32, #tpu.memory_space<vmem>>, vector<16xf32>,
      tpu.vector_store %arg15[%swap3A_324], %div3A_323 {strides = array<i32>} : memref<64xf32, #tpu.memory_space<vmem>>, vector<16xf32>,
      %div3A_326 = vector.broadcast %add3A_317 : f32 to vector<16xf32>
      %div3A_327 = arith.divf %select_n3A_295, %div3A_326 : vector<16xf32>
      %swap3A_328 = arith.constant 32 : index
      %swap3A_329 = tpu.vector_load %arg15[%swap3A_328] {strides = array<i32>} : memref<64xf32, #tpu.memory_space<vmem>>, vector<16xf32>,
      tpu.vector_store %arg15[%swap3A_328], %div3A_327 {strides = array<i32>} : memref<64xf32, #tpu.memory_space<vmem>>, vector<16xf32>,
      %div3A_330 = vector.broadcast %add3A_317 : f32 to vector<16xf32>
      %div3A_331 = arith.divf %select_n3A_312, %div3A_330 : vector<16xf32>
      %swap3A_332 = arith.constant 48 : index
      %swap3A_333 = tpu.vector_load %arg15[%swap3A_332] {strides = array<i32>} : memref<64xf32, #tpu.memory_space<vmem>>, vector<16xf32>,
      tpu.vector_store %arg15[%swap3A_332], %div3A_331 {strides = array<i32>} : memref<64xf32, #tpu.memory_space<vmem>>, vector<16xf32>,
      %dma_start3A = arith.constant 0 : i32
      %dma_start3A_334 = arith.constant 0 : i32
      %dma_start3A_335 = tpu.memref_slice %arg3[%dma_start3A, %dma_start3A_334] : memref<100000x128xf32, #tpu.memory_space<hbm>> -> memref<100000x128xf32, #tpu.memory_space<hbm>>
      tpu.enqueue_indirect_dma source(%dma_start3A_335 : memref<100000x128xf32, #tpu.memory_space<hbm>>) target(%arg16 : memref<64x128xf32, #tpu.memory_space<vmem>>) offsets(%arg12 : memref<64xi32, #tpu.memory_space<vmem>>) semaphore(%arg24 : memref<!tpu.dma_semaphore, #tpu.memory_space<semaphore_mem>>)
      %dma_start3A_336 = arith.constant 0 : i32
      %dma_start3A_337 = arith.constant 0 : i32
      %dma_start3A_338 = tpu.memref_slice %arg4[%dma_start3A_336, %dma_start3A_337] : memref<100000x128xf32, #tpu.memory_space<hbm>> -> memref<100000x128xf32, #tpu.memory_space<hbm>>
      tpu.enqueue_indirect_dma source(%dma_start3A_338 : memref<100000x128xf32, #tpu.memory_space<hbm>>) target(%arg17 : memref<64x128xf32, #tpu.memory_space<vmem>>) offsets(%arg12 : memref<64xi32, #tpu.memory_space<vmem>>) semaphore(%arg24 : memref<!tpu.dma_semaphore, #tpu.memory_space<semaphore_mem>>)
      %dma_wait3A = arith.constant 0 : i32
      %dma_wait3A_339 = arith.constant 0 : i32
      %dma_wait3A_340 = tpu.memref_slice %arg3[%dma_wait3A, %dma_wait3A_339] : memref<100000x128xf32, #tpu.memory_space<hbm>> -> memref<100000x128xf32, #tpu.memory_space<hbm>>
      tpu.wait_indirect_dma semaphore(%arg24 : memref<!tpu.dma_semaphore, #tpu.memory_space<semaphore_mem>>) src(%dma_wait3A_340 : memref<100000x128xf32, #tpu.memory_space<hbm>>) dst(%arg16 : memref<64x128xf32, #tpu.memory_space<vmem>>)
      %dma_wait3A_341 = arith.constant 0 : i32
      %dma_wait3A_342 = arith.constant 0 : i32
      %dma_wait3A_343 = tpu.memref_slice %arg4[%dma_wait3A_341, %dma_wait3A_342] : memref<100000x128xf32, #tpu.memory_space<hbm>> -> memref<100000x128xf32, #tpu.memory_space<hbm>>
      tpu.wait_indirect_dma semaphore(%arg24 : memref<!tpu.dma_semaphore, #tpu.memory_space<semaphore_mem>>) src(%dma_wait3A_343 : memref<100000x128xf32, #tpu.memory_space<hbm>>) dst(%arg17 : memref<64x128xf32, #tpu.memory_space<vmem>>)
      %broadcast_in_dim3A_344 = arith.constant 0.000000e+00 : f32
      %broadcast_in_dim3A_345 = vector.broadcast %broadcast_in_dim3A_344 : f32 to vector<16xf32>
      %scan3A_346 = arith.constant 0 : i32
      %scan3A_347 = arith.constant 64 : i32
      %scan3A_348 = arith.addi %scan3A_346, %scan3A_347 : i32
      %scan3A_349 = arith.constant 1 : i32
      %scan3A_350:16 = scf.for %scan3A_384 = %scan3A_346 to %scan3A_348 step %scan3A_349 iter_args(%scan3A_385 = %broadcast_in_dim3A_345, %scan3A_386 = %broadcast_in_dim3A_345, %scan3A_387 = %broadcast_in_dim3A_345, %scan3A_388 = %broadcast_in_dim3A_345, %scan3A_389 = %broadcast_in_dim3A_345, %scan3A_390 = %broadcast_in_dim3A_345, %scan3A_391 = %broadcast_in_dim3A_345, %scan3A_392 = %broadcast_in_dim3A_345, %scan3A_393 = %broadcast_in_dim3A_345, %scan3A_394 = %broadcast_in_dim3A_345, %scan3A_395 = %broadcast_in_dim3A_345, %scan3A_396 = %broadcast_in_dim3A_345, %scan3A_397 = %broadcast_in_dim3A_345, %scan3A_398 = %broadcast_in_dim3A_345, %scan3A_399 = %broadcast_in_dim3A_345, %scan3A_400 = %broadcast_in_dim3A_345) -> (vector<16xf32>, vector<16xf32>, vector<16xf32>, vector<16xf32>, vector<16xf32>, vector<16xf32>, vector<16xf32>, vector<16xf32>, vector<16xf32>, vector<16xf32>, vector<16xf32>, vector<16xf32>, vector<16xf32>, vector<16xf32>, vector<16xf32>, vector<16xf32>)  : i32 {
        %broadcast_in_dim3A_401 = vector.broadcast %scan3A_384 : i32 to vector<16xi32>
        %gather3A = tpu.vector_load_idx %arg15[%broadcast_in_dim3A_401] : memref<64xf32, #tpu.memory_space<vmem>>[vector<16xi32>], vector<16xf32>,
        %get3A_402 = arith.index_cast %scan3A_384 : i32 to index
        %get3A_403 = arith.constant 0 : index
        %get3A_404 = tpu.vector_load %arg16[%get3A_402, %get3A_403] {strides = array<i32>} : memref<64x128xf32, #tpu.memory_space<vmem>>, vector<16xf32>,
        %mul3A_405 = arith.mulf %gather3A, %get3A_404 : vector<16xf32>
        %add3A_406 = arith.addf %scan3A_385, %mul3A_405 : vector<16xf32>
        %get3A_407 = arith.index_cast %scan3A_384 : i32 to index
        %get3A_408 = arith.constant 16 : index
        %get3A_409 = tpu.vector_load %arg16[%get3A_407, %get3A_408] {strides = array<i32>} : memref<64x128xf32, #tpu.memory_space<vmem>>, vector<16xf32>,
        %mul3A_410 = arith.mulf %gather3A, %get3A_409 : vector<16xf32>
        %add3A_411 = arith.addf %scan3A_386, %mul3A_410 : vector<16xf32>
        %get3A_412 = arith.index_cast %scan3A_384 : i32 to index
        %get3A_413 = arith.constant 32 : index
        %get3A_414 = tpu.vector_load %arg16[%get3A_412, %get3A_413] {strides = array<i32>} : memref<64x128xf32, #tpu.memory_space<vmem>>, vector<16xf32>,
        %mul3A_415 = arith.mulf %gather3A, %get3A_414 : vector<16xf32>
        %add3A_416 = arith.addf %scan3A_387, %mul3A_415 : vector<16xf32>
        %get3A_417 = arith.index_cast %scan3A_384 : i32 to index
        %get3A_418 = arith.constant 48 : index
        %get3A_419 = tpu.vector_load %arg16[%get3A_417, %get3A_418] {strides = array<i32>} : memref<64x128xf32, #tpu.memory_space<vmem>>, vector<16xf32>,
        %mul3A_420 = arith.mulf %gather3A, %get3A_419 : vector<16xf32>
        %add3A_421 = arith.addf %scan3A_388, %mul3A_420 : vector<16xf32>
        %get3A_422 = arith.index_cast %scan3A_384 : i32 to index
        %get3A_423 = arith.constant 64 : index
        %get3A_424 = tpu.vector_load %arg16[%get3A_422, %get3A_423] {strides = array<i32>} : memref<64x128xf32, #tpu.memory_space<vmem>>, vector<16xf32>,
        %mul3A_425 = arith.mulf %gather3A, %get3A_424 : vector<16xf32>
        %add3A_426 = arith.addf %scan3A_389, %mul3A_425 : vector<16xf32>
        %get3A_427 = arith.index_cast %scan3A_384 : i32 to index
        %get3A_428 = arith.constant 80 : index
        %get3A_429 = tpu.vector_load %arg16[%get3A_427, %get3A_428] {strides = array<i32>} : memref<64x128xf32, #tpu.memory_space<vmem>>, vector<16xf32>,
        %mul3A_430 = arith.mulf %gather3A, %get3A_429 : vector<16xf32>
        %add3A_431 = arith.addf %scan3A_390, %mul3A_430 : vector<16xf32>
        %get3A_432 = arith.index_cast %scan3A_384 : i32 to index
        %get3A_433 = arith.constant 96 : index
        %get3A_434 = tpu.vector_load %arg16[%get3A_432, %get3A_433] {strides = array<i32>} : memref<64x128xf32, #tpu.memory_space<vmem>>, vector<16xf32>,
        %mul3A_435 = arith.mulf %gather3A, %get3A_434 : vector<16xf32>
        %add3A_436 = arith.addf %scan3A_391, %mul3A_435 : vector<16xf32>
        %get3A_437 = arith.index_cast %scan3A_384 : i32 to index
        %get3A_438 = arith.constant 112 : index
        %get3A_439 = tpu.vector_load %arg16[%get3A_437, %get3A_438] {strides = array<i32>} : memref<64x128xf32, #tpu.memory_space<vmem>>, vector<16xf32>,
        %mul3A_440 = arith.mulf %gather3A, %get3A_439 : vector<16xf32>
        %add3A_441 = arith.addf %scan3A_392, %mul3A_440 : vector<16xf32>
        %get3A_442 = arith.index_cast %scan3A_384 : i32 to index
        %get3A_443 = arith.constant 0 : index
        %get3A_444 = tpu.vector_load %arg17[%get3A_442, %get3A_443] {strides = array<i32>} : memref<64x128xf32, #tpu.memory_space<vmem>>, vector<16xf32>,
        %mul3A_445 = arith.mulf %gather3A, %get3A_444 : vector<16xf32>
        %add3A_446 = arith.addf %scan3A_393, %mul3A_445 : vector<16xf32>
        %get3A_447 = arith.index_cast %scan3A_384 : i32 to index
        %get3A_448 = arith.constant 16 : index
        %get3A_449 = tpu.vector_load %arg17[%get3A_447, %get3A_448] {strides = array<i32>} : memref<64x128xf32, #tpu.memory_space<vmem>>, vector<16xf32>,
        %mul3A_450 = arith.mulf %gather3A, %get3A_449 : vector<16xf32>
        %add3A_451 = arith.addf %scan3A_394, %mul3A_450 : vector<16xf32>
        %get3A_452 = arith.index_cast %scan3A_384 : i32 to index
        %get3A_453 = arith.constant 32 : index
        %get3A_454 = tpu.vector_load %arg17[%get3A_452, %get3A_453] {strides = array<i32>} : memref<64x128xf32, #tpu.memory_space<vmem>>, vector<16xf32>,
        %mul3A_455 = arith.mulf %gather3A, %get3A_454 : vector<16xf32>
        %add3A_456 = arith.addf %scan3A_395, %mul3A_455 : vector<16xf32>
        %get3A_457 = arith.index_cast %scan3A_384 : i32 to index
        %get3A_458 = arith.constant 48 : index
        %get3A_459 = tpu.vector_load %arg17[%get3A_457, %get3A_458] {strides = array<i32>} : memref<64x128xf32, #tpu.memory_space<vmem>>, vector<16xf32>,
        %mul3A_460 = arith.mulf %gather3A, %get3A_459 : vector<16xf32>
        %add3A_461 = arith.addf %scan3A_396, %mul3A_460 : vector<16xf32>
        %get3A_462 = arith.index_cast %scan3A_384 : i32 to index
        %get3A_463 = arith.constant 64 : index
        %get3A_464 = tpu.vector_load %arg17[%get3A_462, %get3A_463] {strides = array<i32>} : memref<64x128xf32, #tpu.memory_space<vmem>>, vector<16xf32>,
        %mul3A_465 = arith.mulf %gather3A, %get3A_464 : vector<16xf32>
        %add3A_466 = arith.addf %scan3A_397, %mul3A_465 : vector<16xf32>
        %get3A_467 = arith.index_cast %scan3A_384 : i32 to index
        %get3A_468 = arith.constant 80 : index
        %get3A_469 = tpu.vector_load %arg17[%get3A_467, %get3A_468] {strides = array<i32>} : memref<64x128xf32, #tpu.memory_space<vmem>>, vector<16xf32>,
        %mul3A_470 = arith.mulf %gather3A, %get3A_469 : vector<16xf32>
        %add3A_471 = arith.addf %scan3A_398, %mul3A_470 : vector<16xf32>
        %get3A_472 = arith.index_cast %scan3A_384 : i32 to index
        %get3A_473 = arith.constant 96 : index
        %get3A_474 = tpu.vector_load %arg17[%get3A_472, %get3A_473] {strides = array<i32>} : memref<64x128xf32, #tpu.memory_space<vmem>>, vector<16xf32>,
        %mul3A_475 = arith.mulf %gather3A, %get3A_474 : vector<16xf32>
        %add3A_476 = arith.addf %scan3A_399, %mul3A_475 : vector<16xf32>
        %get3A_477 = arith.index_cast %scan3A_384 : i32 to index
        %get3A_478 = arith.constant 112 : index
        %get3A_479 = tpu.vector_load %arg17[%get3A_477, %get3A_478] {strides = array<i32>} : memref<64x128xf32, #tpu.memory_space<vmem>>, vector<16xf32>,
        %mul3A_480 = arith.mulf %gather3A, %get3A_479 : vector<16xf32>
        %add3A_481 = arith.addf %scan3A_400, %mul3A_480 : vector<16xf32>
        scf.yield %add3A_406, %add3A_411, %add3A_416, %add3A_421, %add3A_426, %add3A_431, %add3A_436, %add3A_441, %add3A_446, %add3A_451, %add3A_456, %add3A_461, %add3A_466, %add3A_471, %add3A_476, %add3A_481 : vector<16xf32>, vector<16xf32>, vector<16xf32>, vector<16xf32>, vector<16xf32>, vector<16xf32>, vector<16xf32>, vector<16xf32>, vector<16xf32>, vector<16xf32>, vector<16xf32>, vector<16xf32>, vector<16xf32>, vector<16xf32>, vector<16xf32>, vector<16xf32>
      }
      %scan3A_351 = arith.constant 64 : i32
      %swap3A_352 = arith.constant 0 : index
      %swap3A_353 = tpu.vector_load %arg18[%swap3A_352] {strides = array<i32>} : memref<128xf32, #tpu.memory_space<vmem>>, vector<16xf32>,
      tpu.vector_store %arg18[%swap3A_352], %scan3A_350#0 {strides = array<i32>} : memref<128xf32, #tpu.memory_space<vmem>>, vector<16xf32>,
      %swap3A_354 = arith.constant 0 : index
      %swap3A_355 = tpu.vector_load %arg19[%swap3A_354] {strides = array<i32>} : memref<128xf32, #tpu.memory_space<vmem>>, vector<16xf32>,
      tpu.vector_store %arg19[%swap3A_354], %scan3A_350#8 {strides = array<i32>} : memref<128xf32, #tpu.memory_space<vmem>>, vector<16xf32>,
      %swap3A_356 = arith.constant 16 : index
      %swap3A_357 = tpu.vector_load %arg18[%swap3A_356] {strides = array<i32>} : memref<128xf32, #tpu.memory_space<vmem>>, vector<16xf32>,
      tpu.vector_store %arg18[%swap3A_356], %scan3A_350#1 {strides = array<i32>} : memref<128xf32, #tpu.memory_space<vmem>>, vector<16xf32>,
      %swap3A_358 = arith.constant 16 : index
      %swap3A_359 = tpu.vector_load %arg19[%swap3A_358] {strides = array<i32>} : memref<128xf32, #tpu.memory_space<vmem>>, vector<16xf32>,
      tpu.vector_store %arg19[%swap3A_358], %scan3A_350#9 {strides = array<i32>} : memref<128xf32, #tpu.memory_space<vmem>>, vector<16xf32>,
      %swap3A_360 = arith.constant 32 : index
      %swap3A_361 = tpu.vector_load %arg18[%swap3A_360] {strides = array<i32>} : memref<128xf32, #tpu.memory_space<vmem>>, vector<16xf32>,
      tpu.vector_store %arg18[%swap3A_360], %scan3A_350#2 {strides = array<i32>} : memref<128xf32, #tpu.memory_space<vmem>>, vector<16xf32>,
      %swap3A_362 = arith.constant 32 : index
      %swap3A_363 = tpu.vector_load %arg19[%swap3A_362] {strides = array<i32>} : memref<128xf32, #tpu.memory_space<vmem>>, vector<16xf32>,
      tpu.vector_store %arg19[%swap3A_362], %scan3A_350#10 {strides = array<i32>} : memref<128xf32, #tpu.memory_space<vmem>>, vector<16xf32>,
      %swap3A_364 = arith.constant 48 : index
      %swap3A_365 = tpu.vector_load %arg18[%swap3A_364] {strides = array<i32>} : memref<128xf32, #tpu.memory_space<vmem>>, vector<16xf32>,
      tpu.vector_store %arg18[%swap3A_364], %scan3A_350#3 {strides = array<i32>} : memref<128xf32, #tpu.memory_space<vmem>>, vector<16xf32>,
      %swap3A_366 = arith.constant 48 : index
      %swap3A_367 = tpu.vector_load %arg19[%swap3A_366] {strides = array<i32>} : memref<128xf32, #tpu.memory_space<vmem>>, vector<16xf32>,
      tpu.vector_store %arg19[%swap3A_366], %scan3A_350#11 {strides = array<i32>} : memref<128xf32, #tpu.memory_space<vmem>>, vector<16xf32>,
      %swap3A_368 = arith.constant 64 : index
      %swap3A_369 = tpu.vector_load %arg18[%swap3A_368] {strides = array<i32>} : memref<128xf32, #tpu.memory_space<vmem>>, vector<16xf32>,
      tpu.vector_store %arg18[%swap3A_368], %scan3A_350#4 {strides = array<i32>} : memref<128xf32, #tpu.memory_space<vmem>>, vector<16xf32>,
      %swap3A_370 = arith.constant 64 : index
      %swap3A_371 = tpu.vector_load %arg19[%swap3A_370] {strides = array<i32>} : memref<128xf32, #tpu.memory_space<vmem>>, vector<16xf32>,
      tpu.vector_store %arg19[%swap3A_370], %scan3A_350#12 {strides = array<i32>} : memref<128xf32, #tpu.memory_space<vmem>>, vector<16xf32>,
      %swap3A_372 = arith.constant 80 : index
      %swap3A_373 = tpu.vector_load %arg18[%swap3A_372] {strides = array<i32>} : memref<128xf32, #tpu.memory_space<vmem>>, vector<16xf32>,
      tpu.vector_store %arg18[%swap3A_372], %scan3A_350#5 {strides = array<i32>} : memref<128xf32, #tpu.memory_space<vmem>>, vector<16xf32>,
      %swap3A_374 = arith.constant 80 : index
      %swap3A_375 = tpu.vector_load %arg19[%swap3A_374] {strides = array<i32>} : memref<128xf32, #tpu.memory_space<vmem>>, vector<16xf32>,
      tpu.vector_store %arg19[%swap3A_374], %scan3A_350#13 {strides = array<i32>} : memref<128xf32, #tpu.memory_space<vmem>>, vector<16xf32>,
      %swap3A_376 = arith.constant 96 : index
      %swap3A_377 = tpu.vector_load %arg18[%swap3A_376] {strides = array<i32>} : memref<128xf32, #tpu.memory_space<vmem>>, vector<16xf32>,
      tpu.vector_store %arg18[%swap3A_376], %scan3A_350#6 {strides = array<i32>} : memref<128xf32, #tpu.memory_space<vmem>>, vector<16xf32>,
      %swap3A_378 = arith.constant 96 : index
      %swap3A_379 = tpu.vector_load %arg19[%swap3A_378] {strides = array<i32>} : memref<128xf32, #tpu.memory_space<vmem>>, vector<16xf32>,
      tpu.vector_store %arg19[%swap3A_378], %scan3A_350#14 {strides = array<i32>} : memref<128xf32, #tpu.memory_space<vmem>>, vector<16xf32>,
      %swap3A_380 = arith.constant 112 : index
      %swap3A_381 = tpu.vector_load %arg18[%swap3A_380] {strides = array<i32>} : memref<128xf32, #tpu.memory_space<vmem>>, vector<16xf32>,
      tpu.vector_store %arg18[%swap3A_380], %scan3A_350#7 {strides = array<i32>} : memref<128xf32, #tpu.memory_space<vmem>>, vector<16xf32>,
      %swap3A_382 = arith.constant 112 : index
      %swap3A_383 = tpu.vector_load %arg19[%swap3A_382] {strides = array<i32>} : memref<128xf32, #tpu.memory_space<vmem>>, vector<16xf32>,
      tpu.vector_store %arg19[%swap3A_382], %scan3A_350#15 {strides = array<i32>} : memref<128xf32, #tpu.memory_space<vmem>>, vector<16xf32>,
      "tpu.region"() ({
        %run_scoped3A = tpu.sem_alloc : memref<!tpu.dma_semaphore, #tpu.memory_space<semaphore_mem>>
        %dma_start3A_384 = arith.constant 0 : i32
        %dma_start3A_385 = tpu.memref_slice %arg6[%add3A_30, %dma_start3A_384] : memref<4x128xf32, #tpu.memory_space<hbm>> -> memref<1x128xf32, #tpu.memory_space<hbm>>
        %dma_start3A_386 = tpu.memref_squeeze %dma_start3A_385 : memref<1x128xf32, #tpu.memory_space<hbm>> -> memref<128xf32, #tpu.memory_space<hbm>>
        %dma_start3A_387 = arith.constant 0 : i32
        %dma_start3A_388 = tpu.memref_slice %arg6[%add3A_30, %dma_start3A_387] : memref<4x128xf32, #tpu.memory_space<hbm>> -> memref<1x128xf32, #tpu.memory_space<hbm>>
        %dma_start3A_389 = tpu.memref_squeeze %dma_start3A_388 : memref<1x128xf32, #tpu.memory_space<hbm>> -> memref<128xf32, #tpu.memory_space<hbm>>
        tpu.enqueue_dma source(%arg18 : memref<128xf32, #tpu.memory_space<vmem>>) target(%dma_start3A_389 : memref<128xf32, #tpu.memory_space<hbm>>) target_semaphore(%run_scoped3A : memref<!tpu.dma_semaphore, #tpu.memory_space<semaphore_mem>>)
        %dma_wait3A_390 = arith.constant 0 : i32
        %dma_wait3A_391 = tpu.memref_slice %arg6[%add3A_30, %dma_wait3A_390] : memref<4x128xf32, #tpu.memory_space<hbm>> -> memref<1x128xf32, #tpu.memory_space<hbm>>
        %dma_wait3A_392 = tpu.memref_squeeze %dma_wait3A_391 : memref<1x128xf32, #tpu.memory_space<hbm>> -> memref<128xf32, #tpu.memory_space<hbm>>
        %dma_wait3A_393 = arith.constant 0 : i32
        %dma_wait3A_394 = tpu.memref_slice %arg6[%add3A_30, %dma_wait3A_393] : memref<4x128xf32, #tpu.memory_space<hbm>> -> memref<1x128xf32, #tpu.memory_space<hbm>>
        %dma_wait3A_395 = tpu.memref_squeeze %dma_wait3A_394 : memref<1x128xf32, #tpu.memory_space<hbm>> -> memref<128xf32, #tpu.memory_space<hbm>>
        tpu.wait_dma2 semaphore(%run_scoped3A : memref<!tpu.dma_semaphore, #tpu.memory_space<semaphore_mem>>) src(%arg18 : memref<128xf32, #tpu.memory_space<vmem>>) dst(%dma_wait3A_395 : memref<128xf32, #tpu.memory_space<hbm>>)
        tpu.yield
      }) : () -> ()
      "tpu.region"() ({
        %run_scoped3A = tpu.sem_alloc : memref<!tpu.dma_semaphore, #tpu.memory_space<semaphore_mem>>
        %dma_start3A_384 = arith.constant 0 : i32
        %dma_start3A_385 = tpu.memref_slice %arg7[%add3A_30, %dma_start3A_384] : memref<4x128xf32, #tpu.memory_space<hbm>> -> memref<1x128xf32, #tpu.memory_space<hbm>>
        %dma_start3A_386 = tpu.memref_squeeze %dma_start3A_385 : memref<1x128xf32, #tpu.memory_space<hbm>> -> memref<128xf32, #tpu.memory_space<hbm>>
        %dma_start3A_387 = arith.constant 0 : i32
        %dma_start3A_388 = tpu.memref_slice %arg7[%add3A_30, %dma_start3A_387] : memref<4x128xf32, #tpu.memory_space<hbm>> -> memref<1x128xf32, #tpu.memory_space<hbm>>
        %dma_start3A_389 = tpu.memref_squeeze %dma_start3A_388 : memref<1x128xf32, #tpu.memory_space<hbm>> -> memref<128xf32, #tpu.memory_space<hbm>>
        tpu.enqueue_dma source(%arg19 : memref<128xf32, #tpu.memory_space<vmem>>) target(%dma_start3A_389 : memref<128xf32, #tpu.memory_space<hbm>>) target_semaphore(%run_scoped3A : memref<!tpu.dma_semaphore, #tpu.memory_space<semaphore_mem>>)
        %dma_wait3A_390 = arith.constant 0 : i32
        %dma_wait3A_391 = tpu.memref_slice %arg7[%add3A_30, %dma_wait3A_390] : memref<4x128xf32, #tpu.memory_space<hbm>> -> memref<1x128xf32, #tpu.memory_space<hbm>>
        %dma_wait3A_392 = tpu.memref_squeeze %dma_wait3A_391 : memref<1x128xf32, #tpu.memory_space<hbm>> -> memref<128xf32, #tpu.memory_space<hbm>>
        %dma_wait3A_393 = arith.constant 0 : i32
        %dma_wait3A_394 = tpu.memref_slice %arg7[%add3A_30, %dma_wait3A_393] : memref<4x128xf32, #tpu.memory_space<hbm>> -> memref<1x128xf32, #tpu.memory_space<hbm>>
        %dma_wait3A_395 = tpu.memref_squeeze %dma_wait3A_394 : memref<1x128xf32, #tpu.memory_space<hbm>> -> memref<128xf32, #tpu.memory_space<hbm>>
        tpu.wait_dma2 semaphore(%run_scoped3A : memref<!tpu.dma_semaphore, #tpu.memory_space<semaphore_mem>>) src(%arg19 : memref<128xf32, #tpu.memory_space<vmem>>) dst(%dma_wait3A_395 : memref<128xf32, #tpu.memory_space<hbm>>)
        tpu.yield
      }) : () -> ()
    } else {
    }
    return
  }
}

module attributes {stable_mosaic.version = 14 : i64} {
  func.func @_dist_body(%arg0: i32, %arg1: memref<4x1024x128xf32, #tpu.memory_space<vmem>>, %arg2: memref<12800x128xf32, #tpu.memory_space<vmem>>, %arg3: memref<12800x128xf32, #tpu.memory_space<vmem>>, %arg4: memref<4x12800xf32, #tpu.memory_space<vmem>>, %arg5: memref<4x128xf32, #tpu.memory_space<vmem>>, %arg6: memref<4x128xf32, #tpu.memory_space<vmem>>) attributes {dimension_semantics = [#tpu.dimension_semantics<arbitrary>], iteration_bounds = array<i64: 8>, scalar_prefetch = 0 : i64, scratch_operands = 0 : i64, tpu.core_type = #tpu.core_type<tc>, window_params = [{pipeline_mode = #tpu.pipeline_mode<synchronous>, transform_indices = @transform_0, window_bounds = array<i64: 4, 1024, 128>}, {transform_indices = @transform_1, window_bounds = array<i64: 12800, 128>}, {transform_indices = @transform_2, window_bounds = array<i64: 12800, 128>}, {transform_indices = @transform_3, window_bounds = array<i64: 4, 12800>}, {pipeline_mode = #tpu.pipeline_mode<synchronous>, transform_indices = @transform_4, window_bounds = array<i64: 4, 128>}, {pipeline_mode = #tpu.pipeline_mode<synchronous>, transform_indices = @transform_5, window_bounds = array<i64: 4, 128>}]} {
    %eq3A = arith.constant 0 : i32
    %eq3A_0 = arith.cmpi eq, %arg0, %eq3A : i32
    %convert_element_type3A = arith.extui %eq3A_0 : i1 to i32
    %cond3A = arith.constant 0 : i32
    %cond3A_1 = arith.cmpi ne, %convert_element_type3A, %cond3A : i32
    scf.if %cond3A_1 {
      %get3A_57 = arith.constant 0 : index
      %get3A_58 = arith.constant 0 : index
      %get3A_59 = arith.constant 0 : index
      %get3A_60 = vector.load %arg1[%get3A_57, %get3A_58, %get3A_59] : memref<4x1024x128xf32, #tpu.memory_space<vmem>>, vector<4x1024x128xf32>
      %reduce_sum3A_61 = arith.constant dense<0.000000e+00> : vector<4x128xf32>
      %reduce_sum3A_62 = vector.multi_reduction <add>, %get3A_60, %reduce_sum3A_61 [1] : vector<4x1024x128xf32> to vector<4x128xf32>
      %div3A = arith.constant 1.024000e+03 : f32
      %div3A_63 = vector.broadcast %div3A : f32 to vector<4x128xf32>
      %div3A_64 = arith.divf %reduce_sum3A_62, %div3A_63 : vector<4x128xf32>
      %broadcast_in_dim3A_65 = vector.shape_cast %div3A_64 : vector<4x128xf32> to vector<4x1x128xf32>
      %sub3A_66 = vector.broadcast %broadcast_in_dim3A_65 : vector<4x1x128xf32> to vector<4x1024x128xf32>
      %sub3A_67 = arith.subf %get3A_60, %sub3A_66 : vector<4x1024x128xf32>
      %swap3A_68 = arith.constant 0 : index
      %swap3A_69 = arith.constant 0 : index
      %swap3A_70 = vector.load %arg5[%swap3A_68, %swap3A_69] : memref<4x128xf32, #tpu.memory_space<vmem>>, vector<4x128xf32>
      tpu.vector_store %arg5[%swap3A_68, %swap3A_69], %div3A_64 {strides = array<i32>} : memref<4x128xf32, #tpu.memory_space<vmem>>, vector<4x128xf32>,
      %mul3A_71 = arith.mulf %sub3A_67, %sub3A_67 : vector<4x1024x128xf32>
      %reduce_sum3A_72 = arith.constant dense<0.000000e+00> : vector<4x128xf32>
      %reduce_sum3A_73 = vector.multi_reduction <add>, %mul3A_71, %reduce_sum3A_72 [1] : vector<4x1024x128xf32> to vector<4x128xf32>
      %div3A_74 = arith.constant 1.024000e+03 : f32
      %div3A_75 = vector.broadcast %div3A_74 : f32 to vector<4x128xf32>
      %div3A_76 = arith.divf %reduce_sum3A_73, %div3A_75 : vector<4x128xf32>
      %sqrt3A_77 = math.sqrt %div3A_76 : vector<4x128xf32>
      %swap3A_78 = arith.constant 0 : index
      %swap3A_79 = arith.constant 0 : index
      %swap3A_80 = vector.load %arg6[%swap3A_78, %swap3A_79] : memref<4x128xf32, #tpu.memory_space<vmem>>, vector<4x128xf32>
      tpu.vector_store %arg6[%swap3A_78, %swap3A_79], %sqrt3A_77 {strides = array<i32>} : memref<4x128xf32, #tpu.memory_space<vmem>>, vector<4x128xf32>,
    } else {
    }
    %get3A = arith.constant 0 : index
    %get3A_2 = arith.constant 0 : index
    %get3A_3 = vector.load %arg2[%get3A, %get3A_2] : memref<12800x128xf32, #tpu.memory_space<vmem>>, vector<12800x128xf32>
    %get3A_4 = arith.constant 0 : index
    %get3A_5 = arith.constant 0 : index
    %get3A_6 = vector.load %arg3[%get3A_4, %get3A_5] : memref<12800x128xf32, #tpu.memory_space<vmem>>, vector<12800x128xf32>
    %get3A_7 = arith.constant 0 : index
    %get3A_8 = arith.constant 0 : index
    %get3A_9 = vector.load %arg5[%get3A_7, %get3A_8] : memref<4x128xf32, #tpu.memory_space<vmem>>, vector<4x128xf32>
    %get3A_10 = arith.constant 0 : index
    %get3A_11 = arith.constant 0 : index
    %get3A_12 = vector.load %arg6[%get3A_10, %get3A_11] : memref<4x128xf32, #tpu.memory_space<vmem>>, vector<4x128xf32>
    %broadcast_in_dim3A = arith.constant 1.000000e+00 : f32
    %broadcast_in_dim3A_13 = vector.broadcast %broadcast_in_dim3A : f32 to vector<1x128xf32>
    %dot_general3A = arith.constant dense<0.000000e+00> : vector<4x12800xf32>
    %dot_general3A_14 = tpu.matmul %get3A_9, %get3A_3, %dot_general3A {dimension_numbers = #tpu.dot_dimension_numbers<[1], [1], [0], [0], [0, 0, 1, 0], [], []>, transpose_lhs_hint = false} : vector<4x128xf32>, vector<12800x128xf32>, vector<4x12800xf32> -> vector<4x12800xf32>
    %dot_general3A_15 = arith.constant dense<0.000000e+00> : vector<4x12800xf32>
    %dot_general3A_16 = tpu.matmul %get3A_12, %get3A_6, %dot_general3A_15 {dimension_numbers = #tpu.dot_dimension_numbers<[1], [1], [0], [0], [0, 0, 1, 0], [], []>, transpose_lhs_hint = false} : vector<4x128xf32>, vector<12800x128xf32>, vector<4x12800xf32> -> vector<4x12800xf32>
    %mul3A = arith.mulf %get3A_3, %get3A_3 : vector<12800x128xf32>
    %dot_general3A_17 = arith.constant dense<0.000000e+00> : vector<1x12800xf32>
    %dot_general3A_18 = tpu.matmul %broadcast_in_dim3A_13, %mul3A, %dot_general3A_17 {dimension_numbers = #tpu.dot_dimension_numbers<[1], [1], [0], [0], [0, 0, 1, 0], [], []>, transpose_lhs_hint = false} : vector<1x128xf32>, vector<12800x128xf32>, vector<1x12800xf32> -> vector<1x12800xf32>
    %mul3A_19 = arith.mulf %get3A_6, %get3A_6 : vector<12800x128xf32>
    %dot_general3A_20 = arith.constant dense<0.000000e+00> : vector<1x12800xf32>
    %dot_general3A_21 = tpu.matmul %broadcast_in_dim3A_13, %mul3A_19, %dot_general3A_20 {dimension_numbers = #tpu.dot_dimension_numbers<[1], [1], [0], [0], [0, 0, 1, 0], [], []>, transpose_lhs_hint = false} : vector<1x128xf32>, vector<12800x128xf32>, vector<1x12800xf32> -> vector<1x12800xf32>
    %mul3A_22 = arith.mulf %get3A_9, %get3A_9 : vector<4x128xf32>
    %reduce_sum3A = arith.constant dense<0.000000e+00> : vector<4xf32>
    %reduce_sum3A_23 = vector.multi_reduction <add>, %mul3A_22, %reduce_sum3A [1] : vector<4x128xf32> to vector<4xf32>
    %broadcast_in_dim3A_24 = vector.shape_cast %reduce_sum3A_23 : vector<4xf32> to vector<4x1xf32>
    %mul3A_25 = arith.mulf %get3A_12, %get3A_12 : vector<4x128xf32>
    %reduce_sum3A_26 = arith.constant dense<0.000000e+00> : vector<4xf32>
    %reduce_sum3A_27 = vector.multi_reduction <add>, %mul3A_25, %reduce_sum3A_26 [1] : vector<4x128xf32> to vector<4xf32>
    %broadcast_in_dim3A_28 = vector.shape_cast %reduce_sum3A_27 : vector<4xf32> to vector<4x1xf32>
    %mul3A_29 = arith.constant 2.000000e+00 : f32
    %mul3A_30 = vector.broadcast %mul3A_29 : f32 to vector<4x12800xf32>
    %mul3A_31 = arith.mulf %mul3A_30, %dot_general3A_14 : vector<4x12800xf32>
    %sub3A = vector.broadcast %dot_general3A_18 : vector<1x12800xf32> to vector<4x12800xf32>
    %sub3A_32 = arith.subf %sub3A, %mul3A_31 : vector<4x12800xf32>
    %add3A = vector.broadcast %broadcast_in_dim3A_24 : vector<4x1xf32> to vector<4x12800xf32>
    %add3A_33 = arith.addf %sub3A_32, %add3A : vector<4x12800xf32>
    %max3A = arith.constant 0.000000e+00 : f32
    %max3A_34 = vector.broadcast %max3A : f32 to vector<4x12800xf32>
    %max3A_35 = arith.maximumf %add3A_33, %max3A_34 : vector<4x12800xf32>
    %mul3A_36 = arith.constant 2.000000e+00 : f32
    %mul3A_37 = vector.broadcast %mul3A_36 : f32 to vector<4x12800xf32>
    %mul3A_38 = arith.mulf %mul3A_37, %dot_general3A_16 : vector<4x12800xf32>
    %sub3A_39 = vector.broadcast %dot_general3A_21 : vector<1x12800xf32> to vector<4x12800xf32>
    %sub3A_40 = arith.subf %sub3A_39, %mul3A_38 : vector<4x12800xf32>
    %add3A_41 = vector.broadcast %broadcast_in_dim3A_28 : vector<4x1xf32> to vector<4x12800xf32>
    %add3A_42 = arith.addf %sub3A_40, %add3A_41 : vector<4x12800xf32>
    %max3A_43 = arith.constant 0.000000e+00 : f32
    %max3A_44 = vector.broadcast %max3A_43 : f32 to vector<4x12800xf32>
    %max3A_45 = arith.maximumf %add3A_42, %max3A_44 : vector<4x12800xf32>
    %sqrt3A = math.sqrt %max3A_35 : vector<4x12800xf32>
    %sqrt3A_46 = math.sqrt %max3A_45 : vector<4x12800xf32>
    %add3A_47 = arith.addf %sqrt3A, %sqrt3A_46 : vector<4x12800xf32>
    %mul3A_48 = arith.constant 12800 : i32
    %mul3A_49 = arith.muli %arg0, %mul3A_48 : i32
    %iota3A = tpu.iota {dimensions = array<i32: 1>} : vector<4x12800xi32>
    %add3A_50 = vector.broadcast %mul3A_49 : i32 to vector<4x12800xi32>
    %add3A_51 = arith.addi %add3A_50, %iota3A : vector<4x12800xi32>
    %lt3A = arith.constant 100000 : i32
    %lt3A_52 = vector.broadcast %lt3A : i32 to vector<4x12800xi32>
    %lt3A_53 = arith.cmpi slt, %add3A_51, %lt3A_52 : vector<4x12800xi32>
    %jit3A = arith.constant 0x7F800000 : f32
    %broadcast_in_dim3A_54 = vector.broadcast %jit3A : f32 to vector<4x12800xf32>
    %select_n3A = arith.select %lt3A_53, %add3A_47, %broadcast_in_dim3A_54 : vector<4x12800xi1>, vector<4x12800xf32>
    %swap3A = arith.constant 0 : index
    %swap3A_55 = arith.constant 0 : index
    %swap3A_56 = vector.load %arg4[%swap3A, %swap3A_55] : memref<4x12800xf32, #tpu.memory_space<vmem>>, vector<4x12800xf32>
    tpu.vector_store %arg4[%swap3A, %swap3A_55], %select_n3A {strides = array<i32>} : memref<4x12800xf32, #tpu.memory_space<vmem>>, vector<4x12800xf32>,
    return
  }
  func.func @transform_0(%arg0: i32) -> (i32, i32, i32) {
    %c0_i32 = arith.constant 0 : i32
    %c0_i32_0 = arith.constant 0 : i32
    %c0_i32_1 = arith.constant 0 : i32
    %c0_i32_2 = arith.constant 0 : i32
    return %c0_i32, %c0_i32_0, %c0_i32_1 : i32, i32, i32
  }
  func.func @transform_1(%arg0: i32) -> (i32, i32) {
    %c0_i32 = arith.constant 0 : i32
    %c0_i32_0 = arith.constant 0 : i32
    return %arg0, %c0_i32 : i32, i32
  }
  func.func @transform_2(%arg0: i32) -> (i32, i32) {
    %c0_i32 = arith.constant 0 : i32
    %c0_i32_0 = arith.constant 0 : i32
    return %arg0, %c0_i32 : i32, i32
  }
  func.func @transform_3(%arg0: i32) -> (i32, i32) {
    %c0_i32 = arith.constant 0 : i32
    %c0_i32_0 = arith.constant 0 : i32
    return %c0_i32, %arg0 : i32, i32
  }
  func.func @transform_4(%arg0: i32) -> (i32, i32) {
    %c0_i32 = arith.constant 0 : i32
    %c0_i32_0 = arith.constant 0 : i32
    %c0_i32_1 = arith.constant 0 : i32
    return %c0_i32, %c0_i32_0 : i32, i32
  }
  func.func @transform_5(%arg0: i32) -> (i32, i32) {
    %c0_i32 = arith.constant 0 : i32
    %c0_i32_0 = arith.constant 0 : i32
    %c0_i32_1 = arith.constant 0 : i32
    return %c0_i32, %c0_i32_0 : i32, i32
  }
}

module attributes {stable_mosaic.version = 14 : i64} {
  func.func @_final_body(%arg0: memref<4x1024x128xf32, #tpu.memory_space<vmem>>, %arg1: memref<4x128xf32, #tpu.memory_space<vmem>>, %arg2: memref<4x128xf32, #tpu.memory_space<vmem>>, %arg3: memref<4x128xf32, #tpu.memory_space<vmem>>, %arg4: memref<4x128xf32, #tpu.memory_space<vmem>>, %arg5: memref<1x1xf32, #tpu.memory_space<vmem>>, %arg6: memref<4x1024x128xf32, #tpu.memory_space<vmem>>) attributes {dimension_semantics = [], scalar_prefetch = 0 : i64, scratch_operands = 0 : i64, tpu.core_type = #tpu.core_type<tc>} {
    %get3A = arith.constant 0 : index
    %get3A_0 = arith.constant 0 : index
    %get3A_1 = vector.load %arg5[%get3A, %get3A_0] : memref<1x1xf32, #tpu.memory_space<vmem>>, vector<1x1xf32>
    %get3A_2 = vector.extract %get3A_1[0, 0] : f32 from vector<1x1xf32>
    %neg3A = arith.constant 0.000000e+00 : f32
    %neg3A_3 = arith.subf %neg3A, %get3A_2 : f32
    %exp3A = math.exp %neg3A_3 : f32
    %add3A = arith.constant 1.000000e+00 : f32
    %add3A_4 = arith.addf %add3A, %exp3A : f32
    %div3A = arith.constant 1.000000e+00 : f32
    %div3A_5 = arith.divf %div3A, %add3A_4 : f32
    %get3A_6 = arith.constant 0 : index
    %get3A_7 = arith.constant 0 : index
    %get3A_8 = vector.load %arg1[%get3A_6, %get3A_7] : memref<4x128xf32, #tpu.memory_space<vmem>>, vector<4x128xf32>
    %get3A_9 = arith.constant 0 : index
    %get3A_10 = arith.constant 0 : index
    %get3A_11 = vector.load %arg2[%get3A_9, %get3A_10] : memref<4x128xf32, #tpu.memory_space<vmem>>, vector<4x128xf32>
    %get3A_12 = arith.constant 0 : index
    %get3A_13 = arith.constant 0 : index
    %get3A_14 = vector.load %arg3[%get3A_12, %get3A_13] : memref<4x128xf32, #tpu.memory_space<vmem>>, vector<4x128xf32>
    %mul3A = vector.broadcast %div3A_5 : f32 to vector<4x128xf32>
    %mul3A_15 = arith.mulf %mul3A, %get3A_14 : vector<4x128xf32>
    %sub3A = arith.constant 1.000000e+00 : f32
    %sub3A_16 = arith.subf %sub3A, %div3A_5 : f32
    %mul3A_17 = vector.broadcast %sub3A_16 : f32 to vector<4x128xf32>
    %mul3A_18 = arith.mulf %mul3A_17, %get3A_8 : vector<4x128xf32>
    %add3A_19 = arith.addf %mul3A_15, %mul3A_18 : vector<4x128xf32>
    %get3A_20 = arith.constant 0 : index
    %get3A_21 = arith.constant 0 : index
    %get3A_22 = vector.load %arg4[%get3A_20, %get3A_21] : memref<4x128xf32, #tpu.memory_space<vmem>>, vector<4x128xf32>
    %mul3A_23 = vector.broadcast %div3A_5 : f32 to vector<4x128xf32>
    %mul3A_24 = arith.mulf %mul3A_23, %get3A_22 : vector<4x128xf32>
    %sub3A_25 = arith.constant 1.000000e+00 : f32
    %sub3A_26 = arith.subf %sub3A_25, %div3A_5 : f32
    %mul3A_27 = vector.broadcast %sub3A_26 : f32 to vector<4x128xf32>
    %mul3A_28 = arith.mulf %mul3A_27, %get3A_11 : vector<4x128xf32>
    %add3A_29 = arith.addf %mul3A_24, %mul3A_28 : vector<4x128xf32>
    %get3A_30 = arith.constant 0 : index
    %get3A_31 = arith.constant 0 : index
    %get3A_32 = arith.constant 0 : index
    %get3A_33 = vector.load %arg0[%get3A_30, %get3A_31, %get3A_32] : memref<4x1024x128xf32, #tpu.memory_space<vmem>>, vector<4x1024x128xf32>
    %broadcast_in_dim3A = vector.shape_cast %add3A_29 : vector<4x128xf32> to vector<4x1x128xf32>
    %broadcast_in_dim3A_34 = vector.shape_cast %get3A_8 : vector<4x128xf32> to vector<4x1x128xf32>
    %sub3A_35 = vector.broadcast %broadcast_in_dim3A_34 : vector<4x1x128xf32> to vector<4x1024x128xf32>
    %sub3A_36 = arith.subf %get3A_33, %sub3A_35 : vector<4x1024x128xf32>
    %mul3A_37 = vector.broadcast %broadcast_in_dim3A : vector<4x1x128xf32> to vector<4x1024x128xf32>
    %mul3A_38 = arith.mulf %mul3A_37, %sub3A_36 : vector<4x1024x128xf32>
    %broadcast_in_dim3A_39 = vector.shape_cast %get3A_11 : vector<4x128xf32> to vector<4x1x128xf32>
    %div3A_40 = vector.broadcast %broadcast_in_dim3A_39 : vector<4x1x128xf32> to vector<4x1024x128xf32>
    %div3A_41 = arith.divf %mul3A_38, %div3A_40 : vector<4x1024x128xf32>
    %broadcast_in_dim3A_42 = vector.shape_cast %add3A_19 : vector<4x128xf32> to vector<4x1x128xf32>
    %add3A_43 = vector.broadcast %broadcast_in_dim3A_42 : vector<4x1x128xf32> to vector<4x1024x128xf32>
    %add3A_44 = arith.addf %div3A_41, %add3A_43 : vector<4x1024x128xf32>
    %swap3A = arith.constant 0 : index
    %swap3A_45 = arith.constant 0 : index
    %swap3A_46 = arith.constant 0 : index
    %swap3A_47 = vector.load %arg6[%swap3A, %swap3A_45, %swap3A_46] : memref<4x1024x128xf32, #tpu.memory_space<vmem>>, vector<4x1024x128xf32>
    tpu.vector_store %arg6[%swap3A, %swap3A_45, %swap3A_46], %add3A_44 {strides = array<i32>} : memref<4x1024x128xf32, #tpu.memory_space<vmem>>, vector<4x1024x128xf32>,
    return
  }
}

</mosaic_0001>

<sc_bundles>
// kernel: kernel.5.cloned.1.call-start
scs
__scs_entry_jumppad:
0x0: {  	(pc) =	sbr.rel $0x88, $3  }
0x1: {  	(tag) =	ssettag $0x0;
	lr =	simm.s32 $0x1  }
0x2: {  	[smem:$0x3F9C] =	sst lr;
	_ =	strace $0xD0000000  }
0x3: {  	_ = 	snop  }
0x4: {  	_ = 	snop  }
0x5: {  	_ = 	snop  }
0x6: {  	_ = 	snop  }
0x7: {  	_ = 	snop  }
__scs_overlays_trampoline_lowered:
0x8: {  	[smem:$0x3FAB] =	sst s0  }
0x9: {  	[smem:$0x3FAC] =	sst s1  }
0xa: {  	[smem:$0x3FAD] =	sst s2  }
0xb: {  	[smem:$0x3FAE] =	sst s3  }
0xc: {  	[smem:$0x3FAF] =	sst s4  }
0xd: {  	[smem:$0x3FB0] =	sst s5  }
0xe: {  	[smem:$0x3FB1] =	sst s6  }
0xf: {  	[smem:$0x3FB2] =	sst s7  }
0x10: {  	[smem:$0x3FB3] =	sst s8  }
0x11: {  	[smem:$0x3FB4] =	sst s9;
	s0 =	simm.s32 @!p0 $0x0  }
0x12: {  	s1 =	sld [smem:$0x3F9A];
	s0 =	simm.s32 @p0 $0x1  }
0x13: {  	[smem:$0x3FB5] =	sst s0;
	s0 =	simm.s32 @!p1 $0x0  }
0x14: {  	s2 =	sld [smem:$0x3F99];
	s0 =	simm.s32 @p1 $0x1  }
0x15: {  	[smem:$0x3FB6] =	sst s0;
	s0 =	simm.s32 @!p2 $0x0  }
0x16: {  	s3 =	sld [smem:$0x3FDB];
	s0 =	simm.s32 @p2 $0x1  }
0x17: {  	s4 =	simm.s32 $0x1BF5;
	[smem:$0x3FB8] =	sst s0  }
0x18: {  	s0 =	sld [smem:$0x3F9B];
	_ =	swait.ge [sflag:s4], $0x0  }
0x19: {  	s7 =	sld [smem:$0x3F9C]  }
0x1a: {  	s8 =	sadd.s32 $0xFFFFE003, lr  }
0x1b: {  	s9 =	sadd.s32 $0xFFFFFEF7, lr;
	s5 =	simm.s32 $0xFFFFFFFF;
	p2 =	slt.u32 s8, $0xFFFFF086  }
0x1c: {  	p1 =	slt.u32 s9, $0xF7A;
	s5 =	simm.s32 @!p2 $0x0  }
0x1d: {  	s5 =	simm.s32 @p1 $0x1;
	p0 =	seq.s32 s7, s2  }
0x1e: {  	s7 =	smul.u32 @!p0 $0xF7A, s2;
	p2 =	seq.s32 @!p0 s5, $0x0  }
0x1f: {  	s9 =	smul.u32 $0xF7A, s1;
	s8 =	simm.s32 @!p0 $0x1BF5;
	p2 =	por !p2, p0  }
0x20: {  	[sflag:s8] =	ssyncset.s32 @!p0 $0xFFFFF086;
	s6 =	sadd.s32 @!p0 s3, s7;
	s7 =	simm.s32 @!p0 $0x108  }
0x21: {  	s3 =	sadd.s32 s3, s9;
	s6 =	sadd.s32 @!p0 $0x88, s6;
	s7 =	simm.s32 @p2 $0x1082  }
0x22: {  	[simem:s7], [sflag:s8] =	dma.local @!p0 [hbm:s6], $0xF7A  }
0x23: {  	s9 =	sor.u32 $0xD0000000, s2;
	s6 =	simm.s32 $0x108;
	_ =	swait.ge @!p0 [sflag:s8], $0x0  }
0x24: {  	s3 =	sadd.s32 $0x88, s3;
	s6 =	simm.s32 @!p1 $0x1082;
	[sflag:s4] =	ssyncset.s32 $0xFFFFF086  }
0x25: {  	[simem:s6], [sflag:s4] =	dma.local [hbm:s3], $0xF7A  }
0x26: {  	[smem:$0x3F9C] =	sst s1;
	(tag) =	ssettag s2;
	_ =	strace s9  }
0x27: {  	s1 =	sld [smem:$0x3FAC]  }
0x28: {  	s2 =	sld [smem:$0x3FAD]  }
0x29: {  	s4 =	sld [smem:$0x3FAF]  }
0x2a: {  	p0 =	seq.s32 s5, $0x0;
	s5 =	sld [smem:$0x3FB0]  }
0x2b: {  	s6 =	sld [smem:$0x3FB1]  }
0x2c: {  	s7 =	sld [smem:$0x3FB2]  }
0x2d: {  	s3 =	simm.s32 $0x108;
	s8 =	sld [smem:$0x3FB3]  }
0x2e: {  	s3 =	simm.s32 @!p0 $0x1082;
	s9 =	sld [smem:$0x3FB4]  }
0x2f: {  	lr =	sadd.s32 s0, s3;
	s0 =	sld [smem:$0x3FAB]  }
0x30: {  	s3 =	sld [smem:$0x3FAE]  }
0x31: {  	[smem:$0x3FB7] =	sst s10  }
0x32: {  	s10 =	sld [smem:$0x3FB5];
	_ =	sdelay $0x3  }
0x33: {  	p0 =	seq.s32 s10, $0x1;
	s10 =	sld [smem:$0x3FB7];
	_ =	sdelay $0x3  }
0x34: {  	[smem:$0x3FB7] =	sst s10  }
0x35: {  	s10 =	sld [smem:$0x3FB6];
	_ =	sdelay $0x3  }
0x36: {  	p1 =	seq.s32 s10, $0x1;
	s10 =	sld [smem:$0x3FB7];
	_ =	sdelay $0x3  }
0x37: {  	[smem:$0x3FB7] =	sst s10  }
0x38: {  	s10 =	sld [smem:$0x3FB8]  }
0x39: {  	_ = 	snop;
	(pc) =	sbr.ind lr, $3  }
0x3a: {  	_ = 	snop  }
0x3b: {  	_ = 	snop  }
0x3c: {  	p2 =	seq.s32 s10, $0x1;
	s10 =	sld [smem:$0x3FB7]  }
0x3d: {  	_ =	shalt  }
0x3e: {  	_ =	shalt  }
0x3f: {  	_ =	shalt  }
0x40: {  	_ =	shalt  }
0x41: {  	_ =	shalt  }
0x42: {  	_ =	shalt  }
0x43: {  	_ =	shalt  }
0x44: {  	_ =	shalt  }
0x45: {  	_ =	shalt  }
0x46: {  	_ =	shalt  }
0x47: {  	_ =	shalt  }
0x48: {  	_ =	shalt  }
0x49: {  	_ =	shalt  }
0x4a: {  	_ =	shalt  }
0x4b: {  	_ =	shalt  }
0x4c: {  	_ =	shalt  }
0x4d: {  	_ =	shalt  }
0x4e: {  	_ =	shalt  }
0x4f: {  	_ =	shalt  }
0x50: {  	_ =	shalt  }
0x51: {  	_ =	shalt  }
0x52: {  	_ =	shalt  }
0x53: {  	_ =	shalt  }
0x54: {  	_ =	shalt  }
0x55: {  	_ =	shalt  }
0x56: {  	_ =	shalt  }
0x57: {  	_ =	shalt  }
0x58: {  	_ =	shalt  }
0x59: {  	_ =	shalt  }
0x5a: {  	_ =	shalt  }
0x5b: {  	_ =	shalt  }
0x5c: {  	_ =	shalt  }
0x5d: {  	_ =	shalt  }
0x5e: {  	_ =	shalt  }
0x5f: {  	_ =	shalt  }
0x60: {  	_ =	shalt  }
0x61: {  	_ =	shalt  }
0x62: {  	_ =	shalt  }
0x63: {  	_ =	shalt  }
0x64: {  	_ =	shalt  }
0x65: {  	_ =	shalt  }
0x66: {  	_ =	shalt  }
0x67: {  	_ =	shalt  }
0x68: {  	_ =	shalt  }
0x69: {  	_ =	shalt  }
0x6a: {  	_ =	shalt  }
0x6b: {  	_ =	shalt  }
0x6c: {  	_ =	shalt  }
0x6d: {  	_ =	shalt  }
0x6e: {  	_ =	shalt  }
0x6f: {  	_ =	shalt  }
0x70: {  	_ =	shalt  }
0x71: {  	_ =	shalt  }
0x72: {  	_ =	shalt  }
0x73: {  	_ =	shalt  }
0x74: {  	_ =	shalt  }
0x75: {  	_ =	shalt  }
0x76: {  	_ =	shalt  }
0x77: {  	_ =	shalt  }
0x78: {  	_ =	shalt  }
0x79: {  	_ =	shalt  }
0x7a: {  	_ =	shalt  }
0x7b: {  	_ =	shalt  }
0x7c: {  	_ =	shalt  }
0x7d: {  	_ =	shalt  }
0x7e: {  	_ =	shalt  }
0x7f: {  	_ =	shalt  }
0x80: {  	_ =	shalt  }
0x81: {  	_ =	shalt  }
0x82: {  	_ =	shalt  }
0x83: {  	_ =	shalt  }
0x84: {  	_ =	shalt  }
0x85: {  	_ =	shalt  }
0x86: {  	_ =	shalt  }
0x87: {  	_ =	shalt  }
.Lfunc_end0:
.L_simem_size_0:
called_computation_lowered:
.L_overlay_start_0:
0x88: {  	s2 =	sld [smem:$0x3FD9]  }
0x89: {  	s3 =	sld [smem:$0x3FFE];
	_ =	sdelay $0x1  }
0x8a: {  	s1 =	srdreg.scid  }
0x8b: {  	s0 =	sand.u32 $0x1, s1  }
0x8c: {  	s17 =	sshll.u32 s0, $0xA;
	s2 =	sadd.s32 s3, s2  }
0x8d: {  	s2 =	sadd.s32 s2, s17  }
0x8e: {  	[smem:$0x3FC3] =	sst s2  }
0x8f: {  	_ = 	snop  }
0x90: {  	s2 =	sld [smem:$0x3FC8]  }
0x91: {  	s18 =	sld [smem:$0x3FC7]  }
0x92: {  	s4 =	sld [smem:$0x3FD0];
	(tm) =	ssettm $0x1  }
0x93: {  	s5 =	sld [smem:$0x3FFB];
	_ =	sdelay $0x3  }
0x94: {  	_ =	strace s5  }
0x95: {  	s5 =	sld [smem:$0x3FFC];
	_ =	sdelay $0x3  }
0x96: {  	_ =	strace s5  }
0x97: {  	s5 =	sld [smem:$0x3FFD];
	_ =	sdelay $0x3  }
0x98: {  	_ =	strace s5  }
0x99: {  	_ =	strace $0x8FFFFFFF  }
0x9a: {  	s19 =	sld [smem:$0x3FDB];
	_ =	sdelay $0x1  }
0x9b: {  	s6 =	simm.s32 $_scs_section_size  }
0x9c: {  	s7 =	simm.s32 $_size__tile_overlayer_lowered;
	s8 =	simm.s32 $_tile_overlayer_lowered  }
0x9d: {  	s22 =	simm.s32 $0x1BFF;
	s21 =	sshll.u32 s8, $0x1;
	s5 =	sadd.s32 s6, s19  }
0x9e: {  	s9 =	simm.s32 $0x0;
	s20 =	sshll.u32 s7, $0x1;
	s7 =	sadd.s32 s21, s5  }
0x9f: {  	[timem:s9], [sflag:s22] =	dma.local [hbm:s7], s20  }
0xa0: {  	_ =	swait.ge [sflag:s22], s20  }
0xa1: {  	s6 =	ssub.s32 $0x0, s20;
	[sflag:s22] =	ssyncset.done $0x0  }
0xa2: {  	[sflag:s22] =	ssyncadd.s32 s6;
	_ =	sdelay $0x1  }
0xa3: {  	s23 =	simm.s32 $0x1B8B  }
0xa4: {  	_ =	swait.ge [sflag:s23], $0x1  }
0xa5: {  	[sflag:s23] =	ssyncset.done $0x0  }
0xa6: {  	s25 =	simm.s32 $0x1B8E;
	s24 =	sld [smem:$0x3FFE];
	[sflag:s23] =	ssyncadd.s32 $0xFFFFFFFF  }
0xa7: {  	s26 =	simm.s32 $execute0_lowered;
	[smem:$0x3FD2] =	sst s25  }
0xa8: {  	s7 =	sshll.u32 s26, $0x1;
	_ =	strace $0x80000046;
	[dreg:$0x1] =	wrdreg $0xFFFFFFFF  }
0xa9: {  	s28 =	simm.s32 $_size_execute0_lowered;
	s5 =	sadd.s32 s5, s7;
	[dreg:$0x0] =	wrdreg $0x0  }
0xaa: {  	s7 =	sshll.u32 s28, $0x1;
	[dreg:$0x2] =	wrdreg s5  }
0xab: {  	[dreg:$0x3] =	wrdreg s7  }
0xac: {  	[dreg:$0x4] =	wrdreg $0xC0  }
0xad: {  	_ =	task [dreg:s9], $0x5FFFF  }
0xae: {  	[dreg:$0x1] =	wrdreg $0xFFFFFFFF  }
0xaf: {  	[dreg:$0x0] =	wrdreg $0x60  }
0xb0: {  	[dreg:$0x2] =	wrdreg s4  }
0xb1: {  	[dreg:$0x3] =	wrdreg s2  }
0xb2: {  	[dreg:$0x4] =	wrdreg s18  }
0xb3: {  	[dreg:$0x5] =	wrdreg s24  }
0xb4: {  	[dreg:$0x6] =	wrdreg $0xDE800  }
0xb5: {  	[dreg:$0x7] =	wrdreg $0xDE000  }
0xb6: {  	[dreg:$0x8] =	wrdreg $0xDE400  }
0xb7: {  	[dreg:$0x9] =	wrdreg $0x9  }
0xb8: {  	_ =	task.clear_ibuf [dreg:s9], $0xAFFFF;
	_ =	strace $0x90000046  }
0xb9: {  	s29 =	simm.s32 $0x9;
	_ =	strace $0x80000048  }
0xba: {  	_ =	swait.ge [sflag:s29], $0x1  }
0xbb: {  	[sflag:s29] =	ssyncadd.s32 $0xFFFFFFFF  }
0xbc: {  	_ =	strace $0x90000048  }
0xbd: {  	_ =	sfence  }
0xbe: {  	s30 =	sld [smem:$0x0];
	_ =	sdelay $0x2  }
0xbf: {  	s31 =	sshll.u32 s1, $0xD;
	s1 =	sshrl.u32 s1, $0x2  }
0xc0: {  	s3 =	sand.u32 $0x4000, s31;
	s1 =	sadd.s32 s1, s30  }
0xc1: {  	s0 =	sor.u32 s3, s0;
	s1 =	sshll.u32 s1, $0x11  }
0xc2: {  	s0 =	sor.u32 s1, s0  }
0xc3: {  	s0 =	sadd.s32 $0x8F2B, s0  }
0xc4: {  	[sflag:s0] =	ssyncadd.remote.s32 $0x1  }
0xc5: {  	_ =	sfence.sel $0xFFFF  }
0xc6: {  	[dreg:$0x0] =	wrdreg $0xFFFFFFFF;
	(pc) =	sbr.abs _section_cstart, $3  }
0xc7: {  	[dreg:$0x1] =	wrdreg $0xFFFFFFFF  }
0xc8: {  	_ =	task.clear_ibuf [dreg:s9], $0x2FFFF;
	_ =	strace $0x9FFFFFFF  }
0xc9: {  	(tm) =	ssettm $0x7FFFFFFF  }
tec
execute0_lowered:
.L_overlay_start_1:
0x0: {  	(tag) =	ssettag $0x1  }
0x1: {  	s0 =	rddreg [dreg:$0x0]  }
0x2: {  	s1 =	rddreg [dreg:$0x3]  }
0x3: {  	s2 =	rddreg [dreg:$0x4]  }
0x4: {  	s3 =	rddreg [dreg:$0x5]  }
0x5: {  	s5 =	rddreg [dreg:$0x6];
	s4 =	simm.s32 $0x0  }
0x6: {  	s6 =	srdreg.scid;
	s11 =	stileid.u32;
	s17 =	simm.s32 $0x80  }
0x7: {  	s29 =	simm.s32 $0x9800;
	s30 =	simm.s32 $0x9A00;
	s31 =	simm.s32 $0x0  }
0x8: {  	[smem:$0x7FF] =	sst s4;
	s6 =	sand.u32 $0x1, s6;
	s7 =	sshll.u32 s11, $0x4  }
0x9: {  	s8 =	sadd.s32 $0x1400, s1;
	s13 =	sand.u32 $0x7, s11;
	s19 =	sshll.u32 s11, $0x6  }
0xa: {  	s20 =	sshll.u32 s11, $0x7;
	_ =	strace $0x80000047;
	[dreg:$0x8] =	wrdreg s8  }
0xb: {  	s18 =	sshll.u32 s6, $0x8;
	s12 =	sand.u32 $0x80, s7;
	s6 =	ssub.s32 $0x2, s6  }
0xc: {  	s10 =	smul.u32 $0xC800, s13;
	s21 =	sshll.u32 s13, $0x4;
	p0 =	sne.s32 s13, $0x0  }
0xd: {  	s7 =	sor.u32 s18, s12;
	s9 =	sshrl.u32 s6, $0x1;
	s24 =	sadd.s32 s12, s3  }
0xe: {  	s25 =	sadd.s32 s12, s5;
	s8 =	sshrl.u32 s7, $0x3;
	s14 =	ssub.s32 s6, s9  }
0xf: {  	s6 =	smul.u32 $0x3200, s13;
	s7 =	sor.u32 s10, s7;
	[dreg:$0x9] =	wrdreg s24  }
0x10: {  	v1 =	vimm.s32 $0xC0804000;
	s9 =	sand.u32 $0x300, s20;
	[dreg:$0xa] =	wrdreg s25;
	s20 =	simm.s32 $0xDC80  }
0x11: {  	v0 =	vimm.f32 $+Inf;
	v3 =	vunpack.c.0.s8.s32 v1;
	s24 =	simm.s32 $0x3200;
	s25 =	simm.s32 $0x9700;
	s1 =	sadd.s32 s8, s1  }
0x12: {  	(xrf0) =	vmin.scan.msk.f32 $0xffff, v0;
	s10 =	sshrl.u32 s7, $0x3;
	s8 =	sand.u32 $0x40, s19;
	s7 =	sadd.s32 s12, s2  }
0x13: {  	vm0 =	vcmask $0xF00;
	v4 =	vand.u32 $0xFF, v3;
	s16 =	smax.u32 s14, $0x1;
	s19 =	simm.s32 $0x2;
	s2 =	simm.s32 $0x9C00  }
0x14: {  	v5 =	vnsel vm0, $0x0, v4;
	vm0 =	vcmask $0x1310;
	s22 =	sor.u32 s8, s9;
	s8 =	sadd.s32 s0, s10;
	s9 =	sadd.s32 s21, s7  }
.Ltmp0:
0x15: {  	vm1 =	vmmov $0x3;
	v6 =	vsel vm0, $0x100, v5;
	vm0 =	vcmask $0x1714;
	s26 =	sadd.s32 $0x1600, s1;
	s28 =	sadd.s32 $0x1800, s1;
	(pc) =	sbr.rel .LBB2_1-.Ltmp0, $4  }
0x16: {  	v3 =	vlaneseq.u32;
	s21 =	simm.s32 $0xDD00;
	s0 =	simm.s32 @!p0 $0x0;
	v7 =	vsel vm0, $0x140, v6;
	vm0 =	vcmask $0x1B18;
	[dreg:$0xb] =	wrdreg s26  }
0x17: {  	v4 =	vor.u32 $0x10, v3;
	s23 =	sor.u32 s12, s22;
	[dreg:$0xc] =	wrdreg s28;
	s22 =	simm.s32 $0x1;
	v7 =	vsel vm0, $0x180, v7;
	vm0 =	vcmask $0x1F1C  }
0x18: {  	v5 =	vor.u32 $0x20, v3;
	v6 =	vor.u32 $0x30, v3;
	s0 =	simm.s32 @p0 $0x1;
	s26 =	simm.s32 $0x9780;
	s10 =	sadd.s32 s23, s3;
	v7 =	vsel vm0, $0x1C0, v7;
	v2, _, _ =	vpop (xrf0)  }
0x19: {  	s11 =	sadd.s32 s23, s5;
	s23 =	simm.s32 $0x6480;
	[smem:$0x7FD] =	sst s0;
	vm0 =	vmmov $0xff;
	v1 =	vbroadcast v2, $0xF;
	v2 =	vimm.s32 $0x0  }
.LBB2_26:
0x1a: {  	[spmem:s10] =	stream.linear.scatter [tilespmem:s25], [sflag:$0x2], $0x40, $0x38;
	[tilespmem:$0xDE90] =	vst v63  }
0x1b: {  	_ =	swait.ge [sflag:s19], $0x40  }
0x1c: {  	[sflag:s19] =	ssyncset.done $0x0  }
0x1d: {  	[sflag:s19] =	ssyncadd.s32 $0xFFFFFFC0  }
0x1e: {  	[spmem:s11] =	stream.linear.scatter [tilespmem:s26], [sflag:$0x2], $0x40, $0x38;
	[tilespmem:$0xDE90] =	vst v63  }
0x1f: {  	_ =	swait.ge [sflag:s19], $0x40  }
0x20: {  	[sflag:s19] =	ssyncset.done $0x0  }
0x21: {  	[sflag:s19] =	ssyncadd.s32 $0xFFFFFFC0  }
0x22: {  	[bflag:$0x0] =	sbarrier.arrive $0xFFFF  }
0x23: {  	s0 =	sld [smem:$0x7FD];
	_ =	sdelay $0x2  }
0x24: {  	p0 =	seq.s32 s0, $0x1  }
.Ltmp1:
0x25: {  	_ = 	snop;
	(pc) =	sbr.rel @!p0 .LBB2_27-.Ltmp1, $1  }
0x26: {  	_ =	sdelay $0x3  }
.LBB2_32:
0x27: {  	s31 =	sadd.s32 $0x1, s31  }
0x28: {  	p0 =	sne.s32 s31, s16  }
.Ltmp2:
0x29: {  	_ = 	snop;
	(pc) =	sbr.rel @!p0 .LBB2_33-.Ltmp2, $1  }
0x2a: {  	_ =	sdelay $0x3  }
.LBB2_1:
0x2b: {  	s0 =	simm.s32 $0x200  }
0x2c: {  	[tilespmem:s4], [sflag:$0x2] =	stream.strided.gather [hbm4b:s8+s17], $0x3200, s0, s17, $0x38;
	[tilespmem:$0xDE90] =	vst v63  }
0x2d: {  	_ =	swait.ge [sflag:s19], $0x3200  }
0x2e: {  	[sflag:s19] =	ssyncset.done $0x0  }
0x2f: {  	s28 =	simm.s32 $0x0;
	[sflag:s19] =	ssyncadd.s32 $0xFFFFCE00  }
0x30: {  	v11 =	vld [tilespmem:s28+$0x0];
	_ =	sdelay $0x2  }
0x31: {  	s1 =	simm.s32 $0x10  }
0x32: {  	v14 =	vld [tilespmem:s1+$0x0]  }
0x33: {  	v10 =	vmax.f32 v0, v11  }
0x34: {  	v8 =	vmax.f32 v0, v10  }
0x35: {  	v13 =	vimm.f32 $+Inf;
	v9 =	vmax.f32 v0, v8  }
0x36: {  	s0 =	simm.s32 $0x80;
	v12 =	vmin.f32 v0, v11;
	v11 =	vimm.f32 $+Inf;
	v9 =	vmin.f32 v0, v9  }
.LBB2_2:
0x37: {  	s1 =	sshra.s32 s0, $0x2;
	p0 =	sne.s32 s0, $0xC7C0;
	s0 =	sadd.s32 $0x40, s0;
	v13 =	vmin.f32 v13, v10;
	v10 =	vmax.f32 v12, v14;
	v15 =	vmov v14  }
.Ltmp3:
0x38: {  	v11 =	vmin.f32 v11, v8;
	v14 =	vld [tilespmem:s1+$0x0];
	v8 =	vmax.f32 v13, v10;
	(pc) =	sbr.rel @p0 .LBB2_2-.Ltmp3, $3  }
0x39: {  	v16 =	vmax.f32 v11, v8  }
0x3a: {  	v9 =	vmin.f32 v9, v16;
	_ =	sdelay $0x1  }
0x3b: {  	v12 =	vmin.f32 v12, v15  }
0x3c: {  	v12 =	vmax.f32 v12, v14;
	v10 =	vmin.f32 v13, v10  }
0x3d: {  	v8 =	vmin.f32 v11, v8;
	v10 =	vmax.f32 v10, v12  }
0x3e: {  	v8 =	vmax.f32 v8, v10  }
0x3f: {  	v8 =	vmin.f32 v9, v8  }
0x40: {  	(xrf0) =	vmax.scan.msk.f32 $0xffff, v8;
	_ =	sdelay $0x5  }
0x41: {  	v8, _, _ =	vpop (xrf0)  }
0x42: {  	v8 =	vbroadcast v8, $0xF;
	_ =	sdelay $0x1  }
0x43: {  	[tilespmem:$0xDC80] =	vst v8  }
0x44: {  	[spmem:s9] =	stream.linear.scatter [tilespmem:s20], [sflag:$0x2], $0x10, $0x38;
	[tilespmem:$0xDE90] =	vst v63  }
0x45: {  	_ =	swait.ge [sflag:s19], $0x10  }
0x46: {  	[sflag:s19] =	ssyncset.done $0x0  }
0x47: {  	[sflag:s19] =	ssyncadd.s32 $0xFFFFFFF0  }
0x48: {  	[bflag:$0x0] =	sbarrier.arrive $0xFFFF  }
0x49: {  	[tilespmem:s21], [sflag:$0x2] =	stream.linear.gather [spmem:s7], $0x80, $0x38;
	[tilespmem:$0xDE90] =	vst v63  }
0x4a: {  	_ =	swait.ge [sflag:s19], $0x80  }
0x4b: {  	[sflag:s19] =	ssyncset.done $0x0  }
0x4c: {  	[sflag:s19] =	ssyncadd.s32 $0xFFFFFF80  }
0x4d: {  	v8 =	vld [tilespmem:$0xDD00]  }
0x4e: {  	v9 =	vld [tilespmem:$0xDD10]  }
0x4f: {  	v10 =	vld [tilespmem:$0xDD20]  }
0x50: {  	v11 =	vld [tilespmem:$0xDD30]  }
0x51: {  	v58 =	vld [tilespmem:$0xDD40]  }
0x52: {  	v59 =	vld [tilespmem:$0xDD50]  }
0x53: {  	v8 =	vmin.f32 v8, v9;
	v9 =	vld [tilespmem:$0xDD60]  }
0x54: {  	v8 =	vmin.f32 v8, v10;
	v10 =	vld [tilespmem:$0xDD70]  }
0x55: {  	v8 =	vmin.f32 v8, v11  }
0x56: {  	v8 =	vmin.f32 v8, v58  }
0x57: {  	v8 =	vmin.f32 v8, v59  }
0x58: {  	v8 =	vmin.f32 v8, v9  }
0x59: {  	v8 =	vmin.f32 v8, v10  }
0x5a: {  	(xrf0) =	vmin.scan.msk.f32 $0xffff, v8;
	_ =	sdelay $0x1  }
0x5b: {  	s1 =	simm.s32 $0x20  }
0x5c: {  	v9 =	vld [tilespmem:s1+$0xFFFFFFE0]  }
0x5d: {  	v10 =	vld [tilespmem:s1+$0xFFFFFFF0]  }
0x5e: {  	v11 =	vld [tilespmem:s1+$0x0]  }
0x5f: {  	v12 =	vld [tilespmem:s1+$0x10];
	v8, _, _ =	vpop (xrf0)  }
0x60: {  	v8 =	vbroadcast v8, $0xF;
	_ =	sdelay $0x1  }
0x61: {  	vm2 =	vle.f32 v9, v8;
	vm3 =	vle.f32 v10, v8  }
0x62: {  	vm4 =	vle.f32 v11, v8;
	v60 =	vsel vm2, $0x1, v2;
	v61 =	vsel vm3, $0x1, v2  }
0x63: {  	vm2 =	vle.f32 v12, v8;
	v62 =	vsel vm4, $0x1, v2;
	v13 =	vadd.s32 v60, v61  }
0x64: {  	v63 =	vsel vm2, $0x1, v2;
	v13 =	vadd.s32 v62, v13  }
0x65: {  	v13 =	vadd.s32 v63, v13  }
0x66: {  	(xrf0) =	vadd.scan.msk.s32 $0xffff, v13;
	_ =	sdelay $0x5  }
0x67: {  	v13, _, _ =	vpop (xrf0)  }
0x68: {  	(v2sf) =	vpush v13, $0xF;
	_ =	sdelay $0xe  }
0x69: {  	s3 =	spop (v2sf)  }
0x6a: {  	p2 =	slt.s32 s3, $0x1  }
0x6b: {  	vm3 =	vle.f32 @!p2 v9, v8  }
0x6c: {  	v13 =	vmpcnt.ones.xlane @!p2 vm3  }
0x6d: {  	vm4 =	vle.f32 @!p2 v10, v8  }
0x6e: {  	v14 =	vmpcnt.ones.xlane @!p2 vm4;
	v13 =	vxor.u32 @!p2 $0x80000000, v13  }
0x6f: {  	vm2 =	vle.f32 @!p2 v11, v8;
	(xrf0) =	vmax.scan.msk.u32 @!p2 $0xffff, v13  }
0x70: {  	v13 =	vxor.u32 @!p2 $0x80000000, v14;
	v14 =	vmpcnt.ones.xlane @!p2 vm2  }
0x71: {  	(xrf0) =	vmax.scan.msk.u32 @!p2 $0xffff, v13  }
0x72: {  	v13 =	vxor.u32 @!p2 $0x80000000, v14  }
0x73: {  	(xrf0) =	vmax.scan.msk.u32 @!p2 $0xffff, v13;
	_ =	sdelay $0x1  }
0x74: {  	v13, _, _ =	vpop @!p2 (xrf0)  }
0x75: {  	(v2sf) =	vpush @!p2 v13, $0xF  }
0x76: {  	v13, _, _ =	vpop @!p2 (xrf0)  }
0x77: {  	(v2sf) =	vpush @!p2 v13, $0xF  }
0x78: {  	v13, _, _ =	vpop @!p2 (xrf0)  }
0x79: {  	(v2sf) =	vpush @!p2 v13, $0xF;
	_ =	sdelay $0xa  }
0x7a: {  	s0 =	simm.s32 $0x0;
	s5 =	sadd.s32 @!p2 $0x0, s6;
	v13 =	vlaneseq.u32 @!p2;
	s12 =	spop @!p2 (v2sf)  }
0x7b: {  	[tilespmem:s0+$0x3200] =	vst.msk @!p2 vm3, v9;
	v14 =	vor.u32 @!p2 s5, v13;
	s12 =	sadd.s32 @!p2 $0x0, s12  }
0x7c: {  	s13 =	sadd.s32 @!p2 $0x10, s5;
	[tilespmem:s0+$0x6480] =	vst.msk @!p2 vm3, v14;
	s0 =	sadd.s32 @!p2 $0x80000000, s12;
	s12 =	spop @!p2 (v2sf)  }
0x7d: {  	v9 =	vor.u32 @!p2 s13, v13;
	[tilespmem:s0+$0x3200] =	vst.msk @!p2 vm4, v10;
	s12 =	sadd.s32 @!p2 s12, s0  }
0x7e: {  	s13 =	sadd.s32 @!p2 $0x20, s5;
	[tilespmem:s0+$0x6480] =	vst.msk @!p2 vm4, v9;
	s0 =	sadd.s32 @!p2 $0x80000000, s12;
	s12 =	spop @!p2 (v2sf)  }
0x7f: {  	v9 =	vor.u32 @!p2 s13, v13;
	[tilespmem:s0+$0x3200] =	vst.msk @!p2 vm2, v11;
	s12 =	sadd.s32 @!p2 s12, s0  }
0x80: {  	s13 =	sadd.s32 @!p2 $0x30, s5;
	vm4 =	vle.f32 @!p2 v12, v8;
	[tilespmem:s0+$0x6480] =	vst.msk @!p2 vm2, v9;
	s0 =	sadd.s32 @!p2 $0x80000000, s12  }
0x81: {  	s3 =	sadd.s32 $0x0, s3;
	s5 =	simm.s32 $0x40;
	v9 =	vor.u32 @!p2 s13, v13;
	[tilespmem:s0+$0x3200] =	vst.msk @!p2 vm4, v12  }
.LBB2_4:
0x82: {  	[tilespmem:s0+$0x6480] =	vst.msk @!p2 vm4, v9;
	s1 =	sadd.s32 $0x40, s1;
	s0 =	smov.u32 s5;
	s5 =	sadd.s32 $0x40, s5  }
0x83: {  	s28 =	smov.u32 s3;
	v9 =	vld [tilespmem:s1+$0xFFFFFFE0];
	p1 =	sne.s32 s5, $0x3200  }
0x84: {  	v10 =	vld [tilespmem:s1+$0xFFFFFFF0]  }
0x85: {  	v11 =	vld [tilespmem:s1+$0x0]  }
0x86: {  	v12 =	vld [tilespmem:s1+$0x10];
	_ =	sdelay $0x1  }
0x87: {  	vm2 =	vle.f32 v9, v8  }
0x88: {  	vm3 =	vle.f32 v10, v8  }
0x89: {  	v13 =	vsel vm2, $0x1, v2;
	vm4 =	vle.f32 v11, v8;
	v14 =	vsel vm3, $0x1, v2  }
0x8a: {  	vm2 =	vle.f32 v12, v8;
	v13 =	vadd.s32 v13, v14;
	v14 =	vsel vm4, $0x1, v2  }
0x8b: {  	v13 =	vadd.s32 v14, v13;
	v14 =	vsel vm2, $0x1, v2  }
0x8c: {  	v13 =	vadd.s32 v14, v13  }
0x8d: {  	(xrf0) =	vadd.scan.msk.s32 $0xffff, v13;
	_ =	sdelay $0x5  }
0x8e: {  	v13, _, _ =	vpop (xrf0)  }
0x8f: {  	(v2sf) =	vpush v13, $0xF;
	_ =	sdelay $0xe  }
0x90: {  	s12 =	spop (v2sf)  }
0x91: {  	p2 =	slt.s32 s12, $0x1;
	s3 =	sadd.s32 s3, s12  }
0x92: {  	vm3 =	vle.f32 @!p2 v9, v8;
	s0 =	sadd.s32 @!p2 s0, s6;
	v13 =	vlaneseq.u32 @!p2  }
0x93: {  	v14 =	vmpcnt.ones.xlane @!p2 vm3;
	v15 =	vor.u32 @!p2 s0, v13;
	[tilespmem:s28+$0x3200] =	vst.msk @!p2 vm3, v9;
	s12 =	sadd.s32 @!p2 $0x10, s0;
	s13 =	sadd.s32 @!p2 $0x20, s0;
	s0 =	sadd.s32 @!p2 $0x30, s0  }
0x94: {  	vm2 =	vle.f32 @!p2 v10, v8;
	[tilespmem:s28+$0x6480] =	vst.msk @!p2 vm3, v15;
	v15 =	vor.u32 @!p2 s12, v13;
	v16 =	vor.u32 @!p2 s13, v13  }
0x95: {  	v17 =	vmpcnt.ones.xlane @!p2 vm2;
	v9 =	vor.u32 @!p2 s0, v13;
	v14 =	vxor.u32 @!p2 $0x80000000, v14  }
0x96: {  	vm3 =	vle.f32 @!p2 v11, v8;
	(xrf0) =	vmax.scan.msk.u32 @!p2 $0xffff, v14  }
0x97: {  	v13 =	vxor.u32 @!p2 $0x80000000, v17;
	v14 =	vmpcnt.ones.xlane @!p2 vm3  }
0x98: {  	(xrf0) =	vmax.scan.msk.u32 @!p2 $0xffff, v13  }
0x99: {  	v13 =	vxor.u32 @!p2 $0x80000000, v14  }
0x9a: {  	(xrf0) =	vmax.scan.msk.u32 @!p2 $0xffff, v13;
	_ =	sdelay $0x1  }
0x9b: {  	v13, _, _ =	vpop @!p2 (xrf0)  }
0x9c: {  	(v2sf) =	vpush @!p2 v13, $0xF  }
0x9d: {  	v13, _, _ =	vpop @!p2 (xrf0)  }
0x9e: {  	(v2sf) =	vpush @!p2 v13, $0xF  }
0x9f: {  	v13, _, _ =	vpop @!p2 (xrf0)  }
0xa0: {  	(v2sf) =	vpush @!p2 v13, $0xF;
	_ =	sdelay $0xa  }
0xa1: {  	s0 =	spop @!p2 (v2sf)  }
0xa2: {  	s0 =	sadd.s32 @!p2 s0, s28  }
0xa3: {  	s0 =	sadd.s32 @!p2 $0x80000000, s0;
	s12 =	spop @!p2 (v2sf)  }
.Ltmp4:
0xa4: {  	[tilespmem:s0+$0x3200] =	vst.msk @!p2 vm2, v10;
	s12 =	sadd.s32 @!p2 s12, s0;
	(pc) =	sbr.rel @p1 .LBB2_4-.Ltmp4, $4  }
0xa5: {  	[tilespmem:s0+$0x6480] =	vst.msk @!p2 vm2, v15;
	s0 =	sadd.s32 @!p2 $0x80000000, s12;
	s12 =	spop @!p2 (v2sf)  }
0xa6: {  	[tilespmem:s0+$0x3200] =	vst.msk @!p2 vm3, v11;
	s12 =	sadd.s32 @!p2 s12, s0  }
0xa7: {  	vm4 =	vle.f32 @!p2 v12, v8;
	[tilespmem:s0+$0x6480] =	vst.msk @!p2 vm3, v16;
	s0 =	sadd.s32 @!p2 $0x80000000, s12  }
0xa8: {  	[tilespmem:s0+$0x3200] =	vst.msk @!p2 vm4, v12  }
0xa9: {  	[tilespmem:s0+$0x6480] =	vst.msk @!p2 vm4, v9  }
0xaa: {  	s15 =	sadd.s32 $0x10, s3;
	s1 =	sand.u32 $0xF, s3;
	[tilespmem:s3+$0x3200] =	vst v0  }
0xab: {  	[tilespmem:s3+$0x6480] =	vst v2;
	s18 =	sshra.s32 s15, $0x1F;
	p0 =	slt.s32 s15, $0x1;
	p1 =	sne.s32 s1, $0x0  }
0xac: {  	[tilespmem:$0x9700] =	vst v0;
	s28 =	sshrl.u32 s18, $0x1C;
	p0 =	por !p0, !p1  }
0xad: {  	s1 =	simm.s32 $0x1;
	[tilespmem:$0x9780] =	vst v3;
	s0 =	sadd.s32 s28, s15;
	p0 =	por !p0, !p0  }
0xae: {  	[tilespmem:$0x9710] =	vst v0;
	s0 =	sshra.s32 s0, $0x4;
	s1 =	simm.s32 @!p0 $0x0  }
.Ltmp5:
0xaf: {  	[tilespmem:$0x9790] =	vst v4;
	s3 =	ssub.s32 s0, s1;
	(pc) =	sbr.rel .LBB2_6-.Ltmp5, $4  }
0xb0: {  	[tilespmem:$0x9720] =	vst v0;
	p0 =	slt.s32 s3, $0x1  }
0xb1: {  	[tilespmem:$0x97A0] =	vst v5;
	s0 =	simm.s32 @!p0 $0x0  }
0xb2: {  	[tilespmem:$0x9730] =	vst v0;
	s0 =	simm.s32 @p0 $0x1  }
0xb3: {  	[tilespmem:$0x97B0] =	vst v6;
	s1 =	simm.s32 $0x0;
	[smem:$0x7FC] =	sst s0  }
.LBB2_7:
0xb4: {  	_ = 	snop  }
0xb5: {  	s0 =	simm.s32 $0x40000000;
	v8 =	vmov v1  }
.LBB2_25:
0xb6: {  	v9 =	vmov s0;
	_ =	sdelay $0x3  }
0xb7: {  	v10 =	vmov s1;
	s1 =	sadd.s32 $0x1, s1  }
0xb8: {  	p0 =	sne.s32 s1, $0x32;
	v11 =	vld.idx.msk [tilespmem:v9+s23+$0x0], $0xffff  }
.Ltmp6:
0xb9: {  	_ = 	snop;
	(pc) =	sbr.rel @!p0 .LBB2_26-.Ltmp6, $4  }
0xba: {  	_ = 	snop  }
0xbb: {  	[tilespmem:v9+s24+$0x0] =	vst.idx.msk $0x1, v0  }
0xbc: {  	[tilespmem:v10+s25+$0x0] =	vst.idx.msk $0x1, v8  }
0xbd: {  	[tilespmem:v10+s26+$0x0] =	vst.idx.msk $0x1, v11  }
.LBB2_6:
0xbe: {  	s0 =	sld [smem:$0x7FC];
	_ =	sdelay $0x2  }
0xbf: {  	p0 =	seq.s32 s0, $0x1  }
.Ltmp7:
0xc0: {  	_ = 	snop;
	(pc) =	sbr.rel @p0 .LBB2_7-.Ltmp7, $1  }
0xc1: {  	_ =	sdelay $0x3  }
0xc2: {  	p0 =	sne.s32 s3, $0x1  }
.Ltmp8:
0xc3: {  	_ = 	snop;
	(pc) =	sbr.rel @!p0 .LBB2_10-.Ltmp8, $3  }
0xc4: {  	_ =	sdelay $0x1  }
0xc5: {  	s0 =	simm.s32 $0x3200  }
0xc6: {  	v8 =	vimm.f32 $+Inf;
	s5 =	sadd.s32 $0xFFFFFFFF, s3;
	s12 =	simm.s32 $0x3200;
	v9 =	vld [tilespmem:s0+$0x0]  }
.LBB2_9:
0xc7: {  	p1 =	sne.s32 s5, $0x1  }
.Ltmp9:
0xc8: {  	_ = 	snop;
	(pc) =	sbr.rel @p1 .LBB2_9-.Ltmp9, $3  }
0xc9: {  	_ =	sdelay $0x1  }
0xca: {  	s5 =	sadd.s32 $0xFFFFFFFF, s5;
	s12 =	sadd.s32 $0x10, s12;
	v8 =	vmin.f32 v8, v9  }
0xcb: {  	v9 =	vld [tilespmem:s12+$0x0]  }
.LBB2_10:
0xcc: {  	_ =	sdelay $0x3  }
0xcd: {  	v8 =	vmin.f32 v8, v9  }
0xce: {  	(xrf0) =	vmin.scan.msk.f32 $0xffff, v8;
	_ =	sdelay $0x3  }
0xcf: {  	v9 =	vld [tilespmem:s0+$0x0]  }
.Ltmp10:
0xd0: {  	_ = 	snop;
	(pc) =	sbr.rel @!p0 .LBB2_11-.Ltmp10, $4  }
0xd1: {  	v8, _, _ =	vpop (xrf0)  }
0xd2: {  	s5 =	simm.s32 $0x40000000;
	s28 =	simm.s32 $0x80000000;
	s12 =	simm.s32 $0x3210;
	v8 =	vbroadcast v8, $0xF  }
0xd3: {  	p2 =	por $0x0, $0x0;
	p3 =	por $0x0, $0x0;
	p4 =	por $0x0, $0x0  }
0xd4: {  	p5 =	por $0x0, $0x0;
	p6 =	por $0x0, $0x0;
	s0 =	sadd.s32 $0xFFFFFFFF, s3;
	vm2 =	veq.f32 v9, v8  }
0xd5: {  	v9 =	vld [tilespmem:s12+$0x0];
	p0 =	sne.s32 s0, $0x1  }
.Ltmp11:
0xd6: {  	v10 =	vmpcnt.ones.xlane vm2;
	(pc) =	sbr.rel @!p0 .LBB2_13-.Ltmp11, $4  }
0xd7: {  	v11 =	vmctz.xlane vm2  }
0xd8: {  	v10 =	vxor.u32 $0x80000000, v10  }
0xd9: {  	v11 =	vxor.u32 $0x80000000, v11;
	(xrf0) =	vmax.scan.msk.u32 $0xffff, v10  }
0xda: {  	s0 =	sadd.s32 $0xFFFFFFFF, s0;
	s12 =	simm.s32 $0x3220;
	p2 =	por $0x1, $0x1;
	(xrf0) =	vmax.scan.msk.u32 $0xffff, v11;
	vm2 =	veq.f32 v9, v8  }
0xdb: {  	_ = 	snop  }
0xdc: {  	v9 =	vld [tilespmem:s12+$0x0];
	v11 =	vmctz.xlane vm2;
	p0 =	sne.s32 s0, $0x1  }
.Ltmp12:
0xdd: {  	v10 =	vmpcnt.ones.xlane vm2;
	(pc) =	sbr.rel @!p0 .LBB2_15-.Ltmp12, $4  }
0xde: {  	_ = 	snop  }
0xdf: {  	v10 =	vxor.u32 $0x80000000, v10;
	v12, _, _ =	vpop (xrf0)  }
0xe0: {  	(xrf0) =	vmax.scan.msk.u32 $0xffff, v10;
	v10 =	vxor.u32 $0x80000000, v11;
	(v2sf) =	vpush v12, $0xF;
	v11, _, _ =	vpop (xrf0)  }
0xe1: {  	s0 =	sadd.s32 $0xFFFFFFFF, s0;
	s12 =	simm.s32 $0x3230;
	p3 =	por $0x1, $0x1;
	(xrf0) =	vmax.scan.msk.u32 $0xffff, v10;
	vm2 =	veq.f32 v9, v8;
	(v2sf) =	vpush v11, $0xF  }
0xe2: {  	_ = 	snop  }
0xe3: {  	v11 =	vmctz.xlane vm2  }
0xe4: {  	v10 =	vmpcnt.ones.xlane vm2;
	_ =	sdelay $0x1  }
0xe5: {  	v10 =	vxor.u32 $0x80000000, v10;
	v12, _, _ =	vpop (xrf0)  }
0xe6: {  	(xrf0) =	vmax.scan.msk.u32 $0xffff, v10;
	v10 =	vxor.u32 $0x80000000, v11;
	(v2sf) =	vpush v12, $0xF;
	v11, _, _ =	vpop (xrf0)  }
0xe7: {  	(v2sf) =	vpush v11, $0xF;
	_ =	sdelay $0x5  }
0xe8: {  	v9 =	vld [tilespmem:s12+$0x0];
	p0 =	sne.s32 s0, $0x1  }
.Ltmp13:
0xe9: {  	_ = 	snop;
	(pc) =	sbr.rel @!p0 .LBB2_17-.Ltmp13, $2  }
0xea: {  	_ =	sdelay $0x2  }
0xeb: {  	s0 =	sadd.s32 $0xFFFFFFFF, s0;
	s12 =	simm.s32 $0x3240;
	p4 =	por $0x1, $0x1;
	(xrf0) =	vmax.scan.msk.u32 $0xffff, v10;
	vm2 =	veq.f32 v9, v8  }
0xec: {  	_ = 	snop  }
0xed: {  	v11 =	vmctz.xlane vm2  }
0xee: {  	v10 =	vmpcnt.ones.xlane vm2;
	_ =	sdelay $0x1  }
0xef: {  	v12, _, _ =	vpop (xrf0);
	v10 =	vxor.u32 $0x80000000, v10  }
0xf0: {  	(v2sf) =	vpush v12, $0xF;
	(xrf0) =	vmax.scan.msk.u32 $0xffff, v10;
	v10 =	vxor.u32 $0x80000000, v11;
	v11, _, _ =	vpop (xrf0)  }
0xf1: {  	(v2sf) =	vpush v11, $0xF;
	_ =	sdelay $0x2  }
0xf2: {  	v9 =	vld [tilespmem:s12+$0x0];
	p0 =	sne.s32 s0, $0x1  }
.Ltmp14:
0xf3: {  	_ = 	snop;
	(pc) =	sbr.rel @!p0 .LBB2_19-.Ltmp14, $2  }
0xf4: {  	_ =	sdelay $0x2  }
0xf5: {  	s12 =	sadd.s32 $0xFFFFFFFF, s0;
	s0 =	simm.s32 $0x3250;
	p5 =	por $0x1, $0x1;
	(xrf0) =	vmax.scan.msk.u32 $0xffff, v10;
	vm2 =	veq.f32 v9, v8  }
0xf6: {  	_ = 	snop  }
0xf7: {  	v11 =	vmctz.xlane vm2  }
0xf8: {  	v10 =	vmpcnt.ones.xlane vm2;
	_ =	sdelay $0x1  }
0xf9: {  	v12, _, _ =	vpop (xrf0);
	v10 =	vxor.u32 $0x80000000, v10  }
0xfa: {  	(v2sf) =	vpush v12, $0xF;
	(xrf0) =	vmax.scan.msk.u32 $0xffff, v10;
	v10 =	vxor.u32 $0x80000000, v11;
	v11, _, _ =	vpop (xrf0)  }
0xfb: {  	(v2sf) =	vpush v11, $0xF;
	_ =	sdelay $0x2  }
0xfc: {  	v9 =	vld [tilespmem:s0+$0x0];
	p1 =	sne.s32 s12, $0x1  }
.Ltmp15:
0xfd: {  	s18 =	spop (v2sf);
	(pc) =	sbr.rel @!p1 .LBB2_21-.Ltmp15, $4  }
0xfe: {  	s13 =	spop (v2sf)  }
0xff: {  	s14 =	sadd.s32 $0xFFFFFFFF, s12;
	p0 =	sgt.u32 s18, $0x80000000;
	s0 =	sadd.s32 $0x80000000, s13  }
0x100: {  	s15 =	simm.s32 $0x3260;
	p6 =	por $0x1, $0x1;
	s0 =	simm.s32 @!p0 $0x40000000  }
0x101: {  	s12 =	simm.s32 $0x40000000;
	s13 =	simm.s32 $0x80000000;
	p0 =	sgt.s32 s0, $0x40000000;
	(xrf0) =	vmax.scan.msk.u32 $0xffff, v10;
	vm2 =	veq.f32 v9, v8  }
.LBB2_22:
0x102: {  	s18 =	smov.u32 s12;
	s12 =	smov.u32 s0  }
0x103: {  	v13 =	vmpcnt.ones.xlane vm2;
	p1 =	sne.s32 s14, $0x1;
	v9 =	vld [tilespmem:s15+$0x0];
	s12 =	smov.u32 @p0 s18  }
.Ltmp16:
0x104: {  	s14 =	sadd.s32 $0xFFFFFFFF, s14;
	v11 =	vmctz.xlane vm2;
	s0 =	spop (v2sf);
	(pc) =	sbr.rel @p1 .LBB2_22-.Ltmp16, $4  }
0x105: {  	s13 =	sadd.s32 $0x10, s13;
	v12 =	vxor.u32 $0x80000000, v13;
	s18 =	spop (v2sf)  }
0x106: {  	v11 =	vxor.u32 $0x80000000, v11;
	p0 =	sgt.u32 s0, $0x80000000;
	(xrf0) =	vmax.scan.msk.u32 $0xffff, v12;
	v10, _, _ =	vpop (xrf0);
	s0 =	sadd.s32 s13, s18  }
0x107: {  	(xrf0) =	vmax.scan.msk.u32 $0xffff, v11;
	(v2sf) =	vpush v10, $0xF;
	v10, _, _ =	vpop (xrf0);
	s0 =	simm.s32 @!p0 $0x40000000  }
0x108: {  	s15 =	sadd.s32 $0x10, s15;
	vm2 =	veq.f32 v9, v8;
	(v2sf) =	vpush v10, $0xF;
	p0 =	slt.s32 s12, s0  }
0x109: {  	_ = 	snop  }
.LBB2_24:
0x10a: {  	p0 =	por !p0, !p6;
	s13 =	sadd.s32 @p6 $0x10, s13  }
0x10b: {  	s14 =	simm.s32 $0x80000000;
	s12 =	smov.u32 @p0 s0;
	s0 =	spop @p5 (v2sf)  }
0x10c: {  	v9 =	vmpcnt.ones.xlane vm2;
	s14 =	smov.u32 @p6 s13;
	p0 =	sgt.u32 @p5 s0, $0x80000000;
	s0 =	spop @p5 (v2sf)  }
0x10d: {  	s13 =	simm.s32 $0x40000000;
	s0 =	sadd.s32 @p5 s14, s0;
	p0 =	por !p0, !p5  }
0x10e: {  	v10 =	vmctz.xlane vm2;
	s13 =	smov.u32 @p6 s12;
	v9 =	vxor.u32 $0x80000000, v9;
	s0 =	simm.s32 @p0 $0x40000000  }
0x10f: {  	(xrf0) =	vmax.scan.msk.u32 $0xffff, v9;
	p0 =	slt.s32 @p5 s13, s0  }
0x110: {  	v10 =	vxor.u32 $0x80000000, v10;
	p0 =	por @!p5 p0, p0  }
0x111: {  	s0 =	smov.u32 @p5 s0;
	v9, _, _ =	vpop @p2 (xrf0);
	(xrf0) =	vmax.scan.msk.u32 $0xffff, v10;
	p0 =	por !p0, !p5  }
0x112: {  	s12 =	sadd.s32 @p5 $0x10, s14;
	s13 =	smov.u32 @p0 s0;
	s0 =	spop @p4 (v2sf);
	(v2sf) =	vpush @p2 v9, $0xF;
	v9, _, _ =	vpop @p2 (xrf0)  }
0x113: {  	s14 =	simm.s32 $0x80000000;
	p0 =	sgt.u32 @p4 s0, $0x80000000;
	s0 =	spop @p4 (v2sf);
	(v2sf) =	vpush @p2 v9, $0xF  }
0x114: {  	s14 =	smov.u32 @p5 s12  }
0x115: {  	s12 =	simm.s32 $0x40000000;
	v9, _, _ =	vpop (xrf0);
	s0 =	sadd.s32 @p4 s14, s0;
	p0 =	por !p0, !p4  }
0x116: {  	s12 =	smov.u32 @p5 s13;
	(v2sf) =	vpush v9, $0xF;
	s0 =	simm.s32 @p0 $0x40000000  }
0x117: {  	v9, _, _ =	vpop (xrf0);
	p0 =	slt.s32 @p4 s12, s0  }
0x118: {  	(v2sf) =	vpush v9, $0xF;
	p0 =	por @!p4 p0, p0  }
0x119: {  	s13 =	sadd.s32 @p4 $0x10, s14;
	s0 =	smov.u32 @p4 s0;
	p0 =	por !p0, !p4  }
0x11a: {  	s14 =	simm.s32 $0x80000000;
	s12 =	smov.u32 @p0 s0;
	s0 =	spop @p3 (v2sf)  }
0x11b: {  	s14 =	smov.u32 @p4 s13;
	p0 =	sgt.u32 @p3 s0, $0x80000000;
	s0 =	spop @p3 (v2sf)  }
0x11c: {  	s13 =	simm.s32 $0x40000000;
	s0 =	sadd.s32 @p3 s14, s0;
	p0 =	por !p0, !p3  }
0x11d: {  	s13 =	smov.u32 @p4 s12;
	s0 =	simm.s32 @p0 $0x40000000  }
0x11e: {  	p0 =	slt.s32 @p3 s13, s0  }
0x11f: {  	p0 =	por @!p3 p0, p0  }
0x120: {  	s12 =	sadd.s32 @p3 $0x10, s14;
	s0 =	smov.u32 @p3 s0;
	p0 =	por !p0, !p3  }
0x121: {  	s14 =	simm.s32 $0x80000000;
	s13 =	smov.u32 @p0 s0;
	s0 =	spop @p2 (v2sf)  }
0x122: {  	s14 =	smov.u32 @p3 s12;
	p0 =	sgt.u32 @p2 s0, $0x80000000;
	s0 =	spop @p2 (v2sf)  }
0x123: {  	s12 =	simm.s32 $0x40000000;
	s0 =	sadd.s32 @p2 s14, s0;
	p0 =	por !p0, !p2  }
0x124: {  	s12 =	smov.u32 @p3 s13;
	s0 =	simm.s32 @p0 $0x40000000  }
0x125: {  	s15 =	spop (v2sf);
	s14 =	sadd.s32 @p2 $0x10, s14;
	p0 =	slt.s32 @p2 s12, s0  }
0x126: {  	s28 =	smov.u32 @p2 s14;
	s0 =	smov.u32 @p2 s0;
	p0 =	por @!p2 p0, p0  }
.Ltmp17:
0x127: {  	s18 =	spop (v2sf);
	p0 =	por !p0, !p2;
	(pc) =	sbr.rel .LBB2_25-.Ltmp17, $4  }
0x128: {  	s12 =	smov.u32 @p0 s0;
	p0 =	sgt.u32 s15, $0x80000000;
	s0 =	sadd.s32 s28, s18  }
0x129: {  	s0 =	simm.s32 @!p0 $0x40000000;
	s5 =	smov.u32 @p2 s12  }
0x12a: {  	p0 =	slt.s32 s5, s0  }
0x12b: {  	s0 =	smov.u32 @p0 s5  }
.LBB2_11:
.Ltmp18:
0x12c: {  	(pc) =	sbr.rel .LBB2_24-.Ltmp18, $2  }
0x12d: {  	_ =	sdelay $0x2  }
0x12e: {  	s12 =	simm.s32 $0x40000000;
	s13 =	simm.s32 $0x80000000  }
.LBB2_13:
.Ltmp19:
0x12f: {  	(pc) =	sbr.rel .LBB2_24-.Ltmp19, $2  }
0x130: {  	_ =	sdelay $0x2  }
0x131: {  	s12 =	simm.s32 $0x40000000;
	s13 =	simm.s32 $0x80000000  }
.LBB2_15:
.Ltmp20:
0x132: {  	(pc) =	sbr.rel .LBB2_24-.Ltmp20, $2  }
0x133: {  	_ =	sdelay $0x2  }
0x134: {  	s12 =	simm.s32 $0x40000000;
	s13 =	simm.s32 $0x80000000  }
.LBB2_17:
.Ltmp21:
0x135: {  	(pc) =	sbr.rel .LBB2_24-.Ltmp21, $2  }
0x136: {  	_ =	sdelay $0x2  }
0x137: {  	s12 =	simm.s32 $0x40000000;
	s13 =	simm.s32 $0x80000000  }
.LBB2_19:
.Ltmp22:
0x138: {  	(pc) =	sbr.rel .LBB2_24-.Ltmp22, $2  }
0x139: {  	_ =	sdelay $0x3  }
0x13a: {  	s12 =	simm.s32 $0x40000000;
	s13 =	simm.s32 $0x80000000  }
.LBB2_21:
.Ltmp23:
0x13b: {  	(pc) =	sbr.rel .LBB2_24-.Ltmp23, $2  }
0x13c: {  	_ =	sdelay $0x2  }
0x13d: {  	s12 =	simm.s32 $0x40000000;
	s13 =	simm.s32 $0x80000000  }
.LBB2_27:
0x13e: {  	s0 =	rddreg [dreg:$0x9];
	s1 =	simm.s32 $0x100  }
0x13f: {  	[tilespmem:s29], [sflag:$0x2] =	stream.strided.gather [spmem:s0], $0x200, s1, s17, $0x38;
	[tilespmem:$0xDE90] =	vst v63  }
0x140: {  	_ =	swait.ge [sflag:s19], $0x200  }
0x141: {  	v8 =	vimm.s32 $0x0;
	[sflag:s19] =	ssyncset.done $0x0  }
0x142: {  	v11 =	vadd.s32 v7, v8;
	s15 =	rddreg [dreg:$0xa];
	[sflag:s19] =	ssyncadd.s32 $0xFFFFFE00  }
0x143: {  	[tilespmem:s30], [sflag:$0x2] =	stream.strided.gather [spmem:s15], $0x200, s1, s17, $0x38;
	[tilespmem:$0xDE90] =	vst v63  }
0x144: {  	_ =	swait.ge [sflag:s19], $0x200  }
0x145: {  	[sflag:s19] =	ssyncset.done $0x0  }
0x146: {  	[sflag:s19] =	ssyncadd.s32 $0xFFFFFE00  }
0x147: {  	v9 =	vld.idx.msk [tilespmem:v11+s29+$0x0], $0xffff;
	_ =	sdelay $0x4  }
0x148: {  	v9 =	vnsel vm0, $0x7F800000, v9  }
0x149: {  	(xrf0) =	vmin.scan.msk.f32 $0xffff, v9;
	_ =	sdelay $0x5  }
0x14a: {  	v10, _, _ =	vpop (xrf0)  }
0x14b: {  	v10 =	vbroadcast v10, $0xF;
	_ =	sdelay $0x1  }
0x14c: {  	vm2 =	veq.f32 v9, v10  }
0x14d: {  	vm2 =	vmand vm2, vm0  }
0x14e: {  	v10 =	vmctz.xlane vm2;
	_ =	sdelay $0x1  }
0x14f: {  	v10 =	vxor.u32 $0x80000000, v10  }
0x150: {  	(xrf0) =	vmax.scan.msk.u32 $0xffff, v10;
	_ =	sdelay $0x5  }
0x151: {  	v10, _, _ =	vpop (xrf0)  }
0x152: {  	(v2sf) =	vpush v10, $0xF;
	_ =	sdelay $0xe  }
0x153: {  	s18 =	spop (v2sf)  }
0x154: {  	s0 =	sxor.u32 $0x80000000, s18  }
0x155: {  	v10 =	vmov s0  }
0x156: {  	s28 =	simm.s32 $0x0;
	vm2 =	veq.s32 v10, v3  }
0x157: {  	v12 =	vmov s28;
	v10 =	vsel vm2, $0x1, v2  }
0x158: {  	v11 =	vld.idx.msk [tilespmem:v11+s30+$0x0], $0xffff;
	v10 =	vadd.s32 v10, v8  }
0x159: {  	v8 =	vadd.s32 v7, v10  }
0x15a: {  	s1 =	simm.s32 $0x2;
	s0 =	simm.s32 $0x1  }
.LBB2_28:
0x15b: {  	p0 =	sne.s32 s1, $0x31  }
0x15c: {  	[tilespmem:v12+s25+$0x0] =	vst.idx.msk vm2, v9  }
0x15d: {  	[tilespmem:v12+s26+$0x0] =	vst.idx.msk vm2, v11  }
0x15e: {  	v9 =	vld.idx.msk [tilespmem:v8+s29+$0x0], $0xffff;
	_ =	sdelay $0x5  }
0x15f: {  	v9 =	vnsel vm0, $0x7F800000, v9  }
0x160: {  	(xrf0) =	vmin.scan.msk.f32 $0xffff, v9;
	_ =	sdelay $0x5  }
0x161: {  	v11, _, _ =	vpop (xrf0)  }
0x162: {  	v11 =	vbroadcast v11, $0xF;
	_ =	sdelay $0x1  }
0x163: {  	vm2 =	veq.f32 v9, v11  }
0x164: {  	vm2 =	vmand vm2, vm0  }
0x165: {  	v11 =	vmctz.xlane vm2;
	_ =	sdelay $0x1  }
0x166: {  	v11 =	vxor.u32 $0x80000000, v11  }
0x167: {  	(xrf0) =	vmax.scan.msk.u32 $0xffff, v11;
	_ =	sdelay $0x5  }
0x168: {  	v11, _, _ =	vpop (xrf0)  }
0x169: {  	(v2sf) =	vpush v11, $0xF;
	_ =	sdelay $0xe  }
0x16a: {  	s3 =	spop (v2sf)  }
0x16b: {  	s3 =	sxor.u32 $0x80000000, s3  }
0x16c: {  	v11 =	vmov s3  }
.Ltmp24:
0x16d: {  	vm2 =	veq.s32 v11, v3;
	(pc) =	sbr.rel @p0 .LBB2_28-.Ltmp24, $4  }
0x16e: {  	v12 =	vmov s0;
	s0 =	smov.u32 s1;
	v11 =	vld.idx.msk [tilespmem:v8+s30+$0x0], $0xffff;
	v8 =	vsel vm2, $0x1, v2  }
0x16f: {  	v10 =	vadd.s32 v8, v10  }
0x170: {  	v8 =	vadd.s32 v7, v10  }
0x171: {  	s1 =	sadd.s32 $0x1, s1  }
0x172: {  	_ =	sdelay $0x4  }
0x173: {  	[tilespmem:v12+s25+$0x0] =	vst.idx.msk vm2, v9  }
0x174: {  	[tilespmem:v12+s26+$0x0] =	vst.idx.msk vm2, v11  }
0x175: {  	v9 =	vld.idx.msk [tilespmem:v8+s29+$0x0], $0xffff;
	_ =	sdelay $0x4  }
0x176: {  	v9 =	vnsel vm0, $0x7F800000, v9  }
0x177: {  	(xrf0) =	vmin.scan.msk.f32 $0xffff, v9;
	_ =	sdelay $0x5  }
0x178: {  	v10, _, _ =	vpop (xrf0)  }
0x179: {  	v10 =	vbroadcast v10, $0xF;
	_ =	sdelay $0x1  }
0x17a: {  	vm2 =	veq.f32 v9, v10  }
0x17b: {  	vm2 =	vmand vm2, vm0  }
0x17c: {  	v10 =	vmctz.xlane vm2;
	_ =	sdelay $0x1  }
0x17d: {  	v10 =	vxor.u32 $0x80000000, v10  }
0x17e: {  	(xrf0) =	vmax.scan.msk.u32 $0xffff, v10;
	_ =	sdelay $0x5  }
0x17f: {  	v10, _, _ =	vpop (xrf0)  }
0x180: {  	(v2sf) =	vpush v10, $0xF;
	_ =	sdelay $0xe  }
0x181: {  	s1 =	spop (v2sf)  }
0x182: {  	s1 =	sxor.u32 $0x80000000, s1  }
0x183: {  	v10 =	vmov s1  }
0x184: {  	vm2 =	veq.s32 v10, v3  }
0x185: {  	v10 =	vmov s0  }
0x186: {  	v8 =	vld.idx.msk [tilespmem:v8+s30+$0x0], $0xffff;
	_ =	sdelay $0x3  }
0x187: {  	[tilespmem:v10+s25+$0x0] =	vst.idx.msk vm2, v9  }
0x188: {  	s14 =	rddreg [dreg:$0x8];
	s3 =	simm.s32 $0xDD80;
	s0 =	simm.s32 $0x0;
	[tilespmem:v10+s26+$0x0] =	vst.idx.msk vm2, v8  }
0x189: {  	[tilespmem:s3], [sflag:$0x2] =	stream.linear.gather [hbm4b:s14+s0], $0x80, $0x38;
	[tilespmem:$0xDE90] =	vst v63  }
0x18a: {  	_ =	swait.ge [sflag:s19], $0x80  }
0x18b: {  	[sflag:s19] =	ssyncset.done $0x0  }
0x18c: {  	[sflag:s19] =	ssyncadd.s32 $0xFFFFFF80  }
0x18d: {  	v8 =	vld [tilespmem:$0xDD80];
	_ =	sdelay $0x1  }
0x18e: {  	v9 =	vld [tilespmem:$0x9700]  }
0x18f: {  	v10 =	vld [tilespmem:$0x9710]  }
0x190: {  	v11 =	vld [tilespmem:$0x9720]  }
0x191: {  	v12 =	vld [tilespmem:$0x9730];
	v8 =	vsub.f32 $0.0e+00, v8;
	_ =	sdelay $0x1  }
0x192: {  	v9 =	vmul.f32 v9, v8  }
0x193: {  	v10 =	vmul.f32 v10, v8  }
0x194: {  	v11 =	vmul.f32 v11, v8;
	v9 =	vmul.f32 $1.442695020e+00, v9  }
0x195: {  	v8 =	vmul.f32 v12, v8;
	v10 =	vmul.f32 $1.442695020e+00, v10  }
0x196: {  	(erf) = vpow2.f32 v9;
	v9 =	vmul.f32 $1.442695020e+00, v11  }
0x197: {  	v8 =	vmul.f32 $1.442695020e+00, v8;
	(erf) = vpow2.f32 v10  }
0x198: {  	(erf) = vpow2.f32 v9  }
0x199: {  	(erf) = vpow2.f32 v8;
	_ =	sdelay $0x5  }
0x19a: {  	v8 =	vpop (erf)  }
0x19b: {  	v9 =	vpop (erf)  }
0x19c: {  	v10 =	vpop (erf)  }
0x19d: {  	v11 =	vpop (erf)  }
0x19e: {  	v11 =	vnsel vm1, $0xFF800000, v11  }
0x19f: {  	v12 =	vmax.f32 v8, v9;
	v13 =	vmax.f32 v10, v11  }
0x1a0: {  	v12 =	vmax.f32 v12, v13  }
0x1a1: {  	(xrf0) =	vmax.scan.msk.f32 $0xffff, v12;
	_ =	sdelay $0x5  }
0x1a2: {  	v12, _, _ =	vpop (xrf0)  }
0x1a3: {  	v12 =	vbroadcast v12, $0xF;
	_ =	sdelay $0x1  }
0x1a4: {  	v8 =	vsub.f32 v8, v12;
	_ =	sdelay $0x1  }
0x1a5: {  	v9 =	vsub.f32 v9, v12;
	v8 =	vmul.f32 $1.442695020e+00, v8;
	_ =	sdelay $0x1  }
0x1a6: {  	(erf) = vpow2.f32 v8;
	v8 =	vmul.f32 $1.442695020e+00, v9;
	v9 =	vsub.f32 v10, v12  }
0x1a7: {  	v10 =	vsub.f32 v11, v12  }
0x1a8: {  	(erf) = vpow2.f32 v8;
	v8 =	vmul.f32 $1.442695020e+00, v9  }
0x1a9: {  	v9 =	vmul.f32 $1.442695020e+00, v10  }
0x1aa: {  	(erf) = vpow2.f32 v8  }
0x1ab: {  	(erf) = vpow2.f32 v9;
	_ =	sdelay $0x3  }
0x1ac: {  	v8 =	vpop (erf)  }
0x1ad: {  	(xrf2) =	vadd.scan.msk.f32 $0xffff, v8  }
0x1ae: {  	v9 =	vpop (erf)  }
0x1af: {  	(xrf2) =	vadd.scan.msk.f32 $0xffff, v9  }
0x1b0: {  	v10 =	vpop (erf)  }
0x1b1: {  	(xrf2) =	vadd.scan.msk.f32 $0xffff, v10;
	v11 =	vpop (erf)  }
0x1b2: {  	v11 =	vnsel vm1, $0x0, v11  }
0x1b3: {  	(xrf2) =	vadd.scan.msk.f32 $0xffff, v11;
	_ =	sdelay $0x3  }
0x1b4: {  	v12, _, _ =	vpop (xrf2)  }
0x1b5: {  	(v2sf) =	vpush v12, $0xF  }
0x1b6: {  	v12, _, _ =	vpop (xrf2)  }
0x1b7: {  	(v2sf) =	vpush v12, $0xF  }
0x1b8: {  	v12, _, _ =	vpop (xrf2)  }
0x1b9: {  	(v2sf) =	vpush v12, $0xF  }
0x1ba: {  	v12, _, _ =	vpop (xrf2)  }
0x1bb: {  	(v2sf) =	vpush v12, $0xF;
	_ =	sdelay $0x8  }
0x1bc: {  	s15 =	spop (v2sf)  }
0x1bd: {  	s1 =	sadd.f32 $0.0e+00, s15  }
0x1be: {  	s18 =	spop (v2sf)  }
0x1bf: {  	s1 =	sadd.f32 s1, s18  }
0x1c0: {  	s28 =	spop (v2sf)  }
0x1c1: {  	s1 =	sadd.f32 s1, s28  }
0x1c2: {  	s5 =	spop (v2sf)  }
0x1c3: {  	s1 =	sadd.f32 s1, s5;
	_ =	sdelay $0x1  }
0x1c4: {  	v12 =	vmov s1  }
0x1c5: {  	(erf) = vrcp.f32 v12;
	_ =	sdelay $0x8  }
0x1c6: {  	v12 =	vpop (erf)  }
0x1c7: {  	v8 =	vmul.f32 v12, v8  }
0x1c8: {  	v9 =	vmul.f32 v12, v9  }
0x1c9: {  	[tilespmem:$0x9C00] =	vst v8;
	v8 =	vmul.f32 v12, v10  }
0x1ca: {  	[tilespmem:$0x9C10] =	vst v9;
	v9 =	vmul.f32 v12, v11  }
0x1cb: {  	[tilespmem:$0x9C20] =	vst v8  }
0x1cc: {  	s13 =	simm.s32 $0x40;
	s12 =	rddreg [dreg:$0x1];
	s5 =	simm.s32 $0x9C80;
	[tilespmem:$0x9C30] =	vst v9  }
0x1cd: {  	[tilespmem:s5], [sflag:$0x1] =	stream.indirect.gather [hbm4b:s12+s13], $0x80, s26, s13, $0xb8;
	[tilespmem:$0xDE90] =	vst v63  }
0x1ce: {  	s14 =	rddreg [dreg:$0x2];
	s15 =	simm.s32 $0xBC80  }
0x1cf: {  	[tilespmem:s15], [sflag:$0x1] =	stream.indirect.gather [hbm4b:s14+s13], $0x80, s26, s13, $0xb8;
	[tilespmem:$0xDE90] =	vst v63  }
0x1d0: {  	_ =	swait.ge [sflag:s22], $0x2000  }
0x1d1: {  	[sflag:s22] =	ssyncset.done $0x0  }
0x1d2: {  	[sflag:s22] =	ssyncadd.s32 $0xFFFFE000  }
0x1d3: {  	_ =	swait.ge [sflag:s22], $0x2000  }
0x1d4: {  	[sflag:s22] =	ssyncset.done $0x0  }
0x1d5: {  	s18 =	simm.s32 $0x9CC0;
	[sflag:s22] =	ssyncadd.s32 $0xFFFFE000  }
0x1d6: {  	v8 =	vld [tilespmem:s18+$0xFFFFFFC0]  }
0x1d7: {  	v10 =	vmov s0;
	v9 =	vld [tilespmem:s18+$0xFFFFFFD0]  }
0x1d8: {  	v12 =	vld [tilespmem:s18+$0xFFFFFFE0]  }
0x1d9: {  	v13 =	vld [tilespmem:s18+$0xFFFFFFF0]  }
0x1da: {  	v14 =	vld [tilespmem:s18+$0x0]  }
0x1db: {  	v15 =	vld [tilespmem:s18+$0x10]  }
0x1dc: {  	s1 =	simm.s32 $0xBCC0;
	v11 =	vld.idx.msk [tilespmem:v10+s2+$0x0], $0xffff  }
0x1dd: {  	v10 =	vld [tilespmem:s1+$0x30]  }
0x1de: {  	v16 =	vld [tilespmem:s18+$0x20]  }
0x1df: {  	v20 =	vld [tilespmem:s18+$0x30]  }
0x1e0: {  	v21 =	vld [tilespmem:s1+$0xFFFFFFC0]  }
0x1e1: {  	v23 =	vld [tilespmem:s1+$0xFFFFFFD0]  }
0x1e2: {  	v26 =	vld [tilespmem:s1+$0xFFFFFFE0];
	v17 =	vmul.f32 v8, v11  }
0x1e3: {  	v27 =	vld [tilespmem:s1+$0x0];
	v8 =	vmul.f32 v10, v11;
	v9 =	vmul.f32 v9, v11  }
0x1e4: {  	v12 =	vmul.f32 v12, v11;
	v36 =	vmul.f32 v13, v11  }
0x1e5: {  	v24 =	vmul.f32 v14, v11;
	v25 =	vmul.f32 v15, v11  }
0x1e6: {  	v18 =	vimm.f32 $0.0e+00;
	v22 =	vmul.f32 v16, v11;
	v20 =	vmul.f32 v20, v11  }
0x1e7: {  	v28 =	vimm.f32 $0.0e+00;
	s28 =	simm.s32 $0x1;
	v29 =	vld [tilespmem:s1+$0x10];
	v40 =	vmul.f32 v21, v11;
	v39 =	vmul.f32 v23, v11  }
0x1e8: {  	v41 =	vmov s28;
	v10 =	vld [tilespmem:s1+$0xFFFFFFF0];
	v38 =	vmul.f32 v26, v11;
	v32 =	vmul.f32 v27, v11  }
0x1e9: {  	s0 =	simm.s32 $0x9D40;
	v35 =	vld [tilespmem:s1+$0x20];
	v15 =	vimm.f32 $0.0e+00;
	v27 =	vimm.f32 $0.0e+00;
	v26 =	vimm.f32 $0.0e+00  }
0x1ea: {  	v33 =	vld [tilespmem:s0+$0xFFFFFFC0];
	v23 =	vimm.f32 $0.0e+00;
	v21 =	vimm.f32 $0.0e+00;
	v16 =	vimm.f32 $0.0e+00  }
0x1eb: {  	v34 =	vld [tilespmem:s0+$0xFFFFFFD0];
	v13 =	vimm.f32 $0.0e+00;
	v8 =	vadd.f32 v8, v18;
	v19 =	vadd.f32 v17, v18  }
0x1ec: {  	v30 =	vld [tilespmem:s0+$0xFFFFFFE0];
	v17 =	vadd.f32 v9, v18;
	v14 =	vadd.f32 v12, v18;
	v12 =	vimm.f32 $0.0e+00  }
0x1ed: {  	s3 =	simm.s32 $0x2;
	v31 =	vld [tilespmem:s0+$0xFFFFFFF0];
	v9 =	vimm.f32 $0.0e+00;
	v37 =	vmul.f32 v10, v11;
	v10 =	vimm.f32 $0.0e+00  }
.LBB2_30:
0x1ee: {  	p0 =	sne.s32 s3, $0x3F;
	v42 =	vld [tilespmem:s0+$0x0];
	v18 =	vadd.f32 v36, v18;
	v29 =	vmul.f32 v29, v11;
	v35 =	vmul.f32 v35, v11  }
0x1ef: {  	v15 =	vadd.f32 v24, v15;
	v12 =	vadd.f32 v25, v12;
	v43 =	vld [tilespmem:s0+$0x10]  }
0x1f0: {  	v10 =	vadd.f32 v22, v10;
	v9 =	vadd.f32 v20, v9;
	v44 =	vld [tilespmem:s0+$0x20]  }
0x1f1: {  	v28 =	vadd.f32 v40, v28;
	v27 =	vadd.f32 v39, v27;
	v20 =	vld [tilespmem:s0+$0x30]  }
0x1f2: {  	v26 =	vadd.f32 v38, v26;
	s1 =	sadd.s32 $0x80, s1;
	v23 =	vadd.f32 v37, v23;
	v11 =	vld.idx.msk [tilespmem:v41+s2+$0x0], $0xffff  }
0x1f3: {  	v21 =	vadd.f32 v32, v21;
	v16 =	vadd.f32 v29, v16;
	v22 =	vld [tilespmem:s1+$0x30]  }
0x1f4: {  	v13 =	vadd.f32 v35, v13;
	v32 =	vld [tilespmem:s1+$0xFFFFFFC0]  }
0x1f5: {  	v37 =	vld [tilespmem:s1+$0xFFFFFFD0]  }
0x1f6: {  	v38 =	vld [tilespmem:s1+$0xFFFFFFE0]  }
0x1f7: {  	v45 =	vld [tilespmem:s1+$0xFFFFFFF0]  }
0x1f8: {  	v25 =	vmul.f32 v33, v11;
	v46 =	vld [tilespmem:s1+$0x0];
	v22 =	vmul.f32 v22, v11  }
0x1f9: {  	v39 =	vmul.f32 v34, v11;
	v41 =	vmul.f32 v30, v11;
	v29 =	vld [tilespmem:s1+$0x10]  }
.Ltmp25:
0x1fa: {  	s0 =	sadd.s32 $0x80, s0;
	v36 =	vmul.f32 v31, v11;
	v24 =	vmul.f32 v42, v11;
	v35 =	vld [tilespmem:s1+$0x20];
	v8 =	vadd.f32 v22, v8;
	(pc) =	sbr.rel @p0 .LBB2_30-.Ltmp25, $4  }
0x1fb: {  	v19 =	vadd.f32 v25, v19;
	v25 =	vmul.f32 v43, v11;
	v22 =	vmul.f32 v44, v11;
	v33 =	vld [tilespmem:s0+$0xFFFFFFC0]  }
0x1fc: {  	v20 =	vmul.f32 v20, v11;
	v17 =	vadd.f32 v39, v17;
	v40 =	vmul.f32 v32, v11;
	v34 =	vld [tilespmem:s0+$0xFFFFFFD0]  }
0x1fd: {  	v14 =	vadd.f32 v41, v14;
	v39 =	vmul.f32 v37, v11;
	v38 =	vmul.f32 v38, v11;
	v30 =	vld [tilespmem:s0+$0xFFFFFFE0]  }
0x1fe: {  	v41 =	vmov s3;
	s3 =	sadd.s32 $0x1, s3;
	v37 =	vmul.f32 v45, v11;
	v32 =	vmul.f32 v46, v11;
	v31 =	vld [tilespmem:s0+$0xFFFFFFF0]  }
0x1ff: {  	_ = 	snop  }
0x200: {  	v42 =	vld [tilespmem:s0+$0x0]  }
0x201: {  	v43 =	vld [tilespmem:s0+$0x10]  }
0x202: {  	v44 =	vld [tilespmem:s0+$0x20]  }
0x203: {  	v41 =	vld.idx.msk [tilespmem:v41+s2+$0x0], $0xffff  }
0x204: {  	v45 =	vld [tilespmem:s0+$0x30];
	s15 =	sadd.s32 $0x80, s1  }
0x205: {  	v46 =	vld [tilespmem:s15+$0xFFFFFFC0]  }
0x206: {  	v47 =	vld [tilespmem:s15+$0x30]  }
0x207: {  	v48 =	vld [tilespmem:s15+$0xFFFFFFD0]  }
0x208: {  	v28 =	vadd.f32 v40, v28;
	v49 =	vld [tilespmem:s15+$0xFFFFFFE0];
	v33 =	vmul.f32 v33, v41  }
0x209: {  	v27 =	vadd.f32 v39, v27;
	v26 =	vadd.f32 v38, v26;
	v50 =	vld [tilespmem:s15+$0xFFFFFFF0];
	v34 =	vmul.f32 v34, v41  }
0x20a: {  	v39 =	vmul.f32 v29, v11;
	v60 =	vld [tilespmem:s15+$0x0];
	v38 =	vmul.f32 v30, v41;
	v19 =	vadd.f32 v33, v19  }
0x20b: {  	v15 =	vadd.f32 v24, v15;
	v61 =	vld [tilespmem:s15+$0x10];
	v54 =	vmul.f32 v42, v41;
	v17 =	vadd.f32 v34, v17  }
0x20c: {  	v12 =	vadd.f32 v25, v12;
	v62 =	vld [tilespmem:s15+$0x20];
	v57 =	vmul.f32 v43, v41;
	v14 =	vadd.f32 v38, v14;
	[tilespmem:$0xDC80] =	vst v19  }
0x20d: {  	v10 =	vadd.f32 v22, v10;
	v59 =	vmul.f32 v44, v41;
	v15 =	vadd.f32 v54, v15;
	[tilespmem:$0xDC90] =	vst v17  }
0x20e: {  	v9 =	vadd.f32 v20, v9;
	v46 =	vmul.f32 v46, v41;
	v12 =	vadd.f32 v57, v12;
	[tilespmem:$0xDCA0] =	vst v14  }
0x20f: {  	v16 =	vadd.f32 v39, v16;
	v63 =	vmul.f32 v48, v41;
	v10 =	vadd.f32 v59, v10;
	[tilespmem:$0xDCC0] =	vst v15  }
0x210: {  	v56 =	vmul.f32 v60, v41;
	v58 =	vmul.f32 v61, v41;
	v28 =	vadd.f32 v46, v28;
	[tilespmem:$0xDCD0] =	vst v12  }
0x211: {  	v60 =	vmul.f32 v62, v41;
	v62 =	vmul.f32 v45, v41;
	v27 =	vadd.f32 v63, v27;
	[tilespmem:$0xDCE0] =	vst v10  }
0x212: {  	v51 =	vadd.f32 v37, v23;
	v52 =	vmul.f32 v50, v41;
	v61 =	vadd.f32 v58, v16;
	[tilespmem:$0xDD00] =	vst v28  }
0x213: {  	v55 =	vadd.f32 v32, v21;
	v9 =	vadd.f32 v62, v9;
	[tilespmem:$0xDD10] =	vst v27  }
0x214: {  	v48 =	vmul.f32 v35, v11;
	v46 =	vmul.f32 v49, v41;
	v17 =	vadd.f32 v52, v51;
	[tilespmem:$0xDD50] =	vst v61  }
0x215: {  	v18 =	vadd.f32 v36, v18;
	v49 =	vmul.f32 v31, v41;
	v14 =	vadd.f32 v56, v55;
	[tilespmem:$0xDCF0] =	vst v9  }
0x216: {  	v11 =	vadd.f32 v48, v13;
	v53 =	vadd.f32 v46, v26;
	[tilespmem:$0xDD30] =	vst v17  }
0x217: {  	v63 =	vmul.f32 v47, v41;
	v18 =	vadd.f32 v49, v18;
	[tilespmem:$0xDD40] =	vst v14  }
0x218: {  	v11 =	vadd.f32 v60, v11;
	[tilespmem:$0xDD20] =	vst v53  }
0x219: {  	v8 =	vadd.f32 v63, v8;
	[tilespmem:$0xDCB0] =	vst v18  }
0x21a: {  	[tilespmem:$0xDD60] =	vst v11  }
0x21b: {  	s18 =	rddreg [dreg:$0xb];
	[tilespmem:$0xDD70] =	vst v8  }
0x21c: {  	[hbm4b:s18+s4] =	stream.linear.scatter [tilespmem:s20], [sflag:$0x2], $0x80, $0x38;
	[tilespmem:$0xDE90] =	vst v63  }
0x21d: {  	_ =	swait.ge [sflag:s19], $0x80  }
0x21e: {  	[sflag:s19] =	ssyncset.done $0x0  }
.Ltmp26:
0x21f: {  	s28 =	rddreg [dreg:$0xc];
	[sflag:s19] =	ssyncadd.s32 $0xFFFFFF80;
	(pc) =	sbr.rel .LBB2_32-.Ltmp26, $4  }
0x220: {  	[hbm4b:s28+s4] =	stream.linear.scatter [tilespmem:s21], [sflag:$0x2], $0x80, $0x38;
	[tilespmem:$0xDE90] =	vst v63  }
0x221: {  	_ =	swait.ge [sflag:s19], $0x80  }
0x222: {  	[sflag:s19] =	ssyncset.done $0x0  }
0x223: {  	[sflag:s19] =	ssyncadd.s32 $0xFFFFFF80  }
.LBB2_33:
0x224: {  	_ =	sfence.sel $0x180000  }
0x225: {  	[bflag:$0x0] =	sbarrier.arrive $0xFFFF  }
0x226: {  	_ =	strace $0x90000047  }
0x227: {  	s0 =	stileid.u32;
	[bflag:$0x2] =	sbarrier.arrive $0xFFFF  }
0x228: {  	p0 =	sne.s32 s0, $0x0;
	s0 =	rddreg [dreg:$0x7]  }
0x229: {  	s0 =	sadd.s32 @!p0 $0x100000, s0  }
0x22a: {  	[sflag:s0] =	ssyncadd.tile.s32 @!p0 $0x1;
	_ =	shalt  }
.Lfunc_end2:
_tile_overlayer_lowered:
.L_overlay_start_2:
0x22b: {  	(tag) =	ssettag $0x2  }
0x22c: {  	s0 =	rddreg [dreg:$0x0];
	s2 =	stileid.u32  }
0x22d: {  	s1 =	rddreg [dreg:$0x1];
	p0 =	sne.s32 s2, $0x0  }
0x22e: {  	s3 =	rddreg [dreg:$0x2];
	[bflag:$0x3] =	sbarrier.arrive $0xFFFF;
	s2 =	simm.s32 @!p0 $0x1C02  }
0x22f: {  	[timem:s3], [sflag:s2] =	dma.local @!p0 [hbm:s0], s1  }
0x230: {  	s0 =	simm.s32 @!p0 $0x2  }
0x231: {  	_ =	swait.ge @!p0 [sflag:s0], s1  }
0x232: {  	s1 =	ssub.s32 @!p0 $0x0, s1;
	[sflag:s0] =	ssyncset.done @!p0 $0x0  }
0x233: {  	[sflag:s0] =	ssyncadd.s32 @!p0 s1  }
0x234: {  	[bflag:$0x3] =	sbarrier.arrive $0xFFFF  }
0x235: {  	_ =	shalt  }

</sc_bundles>
